<compile_context>
chip_gen: v7x
topology: tpu7x:2x2x1
jax: 0.10.2.dev20260603
libtpu: 0.0.44.dev20260713+nightly
codegen_flags: <defaults>
</compile_context>

<pallas_src>
import functools

import jax
import jax.numpy as jnp
from jax import lax
from jax.experimental import pallas as pl
from jax.experimental.pallas import tpu as pltpu
from jax.experimental.pallas import tpu_sc as plsc

N = 500000
S = 8192
D = 128

NC = 2
NS = 16
NW = NC * NS

CHUNK = 128
FULL_CHUNKS = N // CHUNK
TAIL = N - FULL_CHUNKS * CHUNK
TAIL_BASE = FULL_CHUNKS * CHUNK

CFG_FULL = (0, 122, 2, True, 0, N)
QROWS = 960 * CHUNK
QROWS4 = N - 3 * QROWS
CFG_Q = [
    (0, 30, 0, False, 0, QROWS),
    (960, 30, 0, False, QROWS, QROWS),
    (1920, 30, 0, False, 2 * QROWS, QROWS),
    (2880, 32, 2, True, 3 * QROWS, QROWS4),
]

_SC_MESH = plsc.VectorSubcoreMesh(
    core_axis_name="c", subcore_axis_name="s", num_cores=NC, num_subcores=NS)

ROWS_PER_SUB = S // NS


def _segsum_body(scale, cfg, data, sids, wgt, zeros2d, zeros1d,
                 vec_out, den_out,
                 data_b, ids_b, w_b, data_tail, ids_tail, w_tail,
                 den_v, acc_sh, sem_d, sem_i, sem_w):
  chunk_lo, base, leftover, has_tail, row_lo, _ = cfg
  c = lax.axis_index("c")
  s = lax.axis_index("s")
  wid = c * NS + s
  base_g = chunk_lo + wid * base

  pltpu.sync_copy(zeros2d.at[pl.ds(s * ROWS_PER_SUB, ROWS_PER_SUB)],
                  acc_sh.at[pl.ds(s * ROWS_PER_SUB, ROWS_PER_SUB)])
  pltpu.sync_copy(zeros1d, den_v)
  plsc.subcore_barrier()

  def start_in(b, g):
    row0 = g * CHUNK
    pltpu.async_copy(data.at[pl.ds(row0, CHUNK)], data_b.at[b], sem_d.at[b])
    pltpu.async_copy(sids.at[pl.ds(row0, CHUNK)], ids_b.at[b], sem_i.at[b])
    pltpu.async_copy(wgt.at[pl.ds(row0 - row_lo, CHUNK)], w_b.at[b],
                     sem_w.at[b])

  def wait_in(b):
    pltpu.make_async_copy(data.at[pl.ds(0, CHUNK)], data_b.at[b],
                          sem_d.at[b]).wait()
    pltpu.make_async_copy(sids.at[pl.ds(0, CHUNK)], ids_b.at[b],
                          sem_i.at[b]).wait()
    pltpu.make_async_copy(wgt.at[pl.ds(0, CHUNK)], w_b.at[b],
                          sem_w.at[b]).wait()

  def consume(dt, it, wt, nrows):
    for k in range(nrows // 16):
      idx = it[pl.ds(k * 16, 16)]
      wv = wt[pl.ds(k * 16, 16)]
      plsc.addupdate_scatter(den_v, [idx], wv)
    if scale:
      def group(g, _):
        wv = wt[pl.ds(g * 16, 16)]
        for j in range(16):
          row = dt.at[g * 16 + j]
          sj = lax.gather(
              wv, jnp.full((16, 1), j, jnp.int32),
              lax.GatherDimensionNumbers(offset_dims=(),
                                         collapsed_slice_dims=(0,),
                                         start_index_map=(0,)),
              slice_sizes=(1,),
              mode=lax.GatherScatterMode.PROMISE_IN_BOUNDS)
          for k in range(D // 16):
            row[pl.ds(k * 16, 16)] = row[pl.ds(k * 16, 16)] * sj
        return _
      lax.fori_loop(0, nrows // 16, group, None)
    pltpu.sync_copy(dt, acc_sh.at[it], add=True)

  start_in(0, base_g)
  start_in(1, base_g + 1)

  def body(it2, _):
    for b in range(2):
      i = 2 * it2 + b
      wait_in(b)
      consume(data_b.at[b], ids_b.at[b], w_b.at[b], CHUNK)

      @pl.when(i + 2 < base)
      def _prefetch():
        start_in(b, base_g + i + 2)
    return _

  lax.fori_loop(0, base // 2, body, None)

  for lw in range(leftover):
    @pl.when(wid == lw)
    def _leftover(lw=lw):
      g = chunk_lo + NW * base + lw
      row0 = g * CHUNK
      pltpu.sync_copy(data.at[pl.ds(row0, CHUNK)], data_b.at[0])
      pltpu.sync_copy(sids.at[pl.ds(row0, CHUNK)], ids_b.at[0])
      pltpu.sync_copy(wgt.at[pl.ds(row0 - row_lo, CHUNK)], w_b.at[0])
      consume(data_b.at[0], ids_b.at[0], w_b.at[0], CHUNK)

  if has_tail:
    @pl.when(wid == NW - 1)
    def _tail():
      pltpu.sync_copy(data.at[pl.ds(TAIL_BASE, TAIL)], data_tail)
      pltpu.sync_copy(sids.at[pl.ds(TAIL_BASE, TAIL)], ids_tail)
      pltpu.sync_copy(wgt.at[pl.ds(TAIL_BASE - row_lo, TAIL)], w_tail)
      consume(data_tail, ids_tail, w_tail, TAIL)

  plsc.subcore_barrier()

  pltpu.sync_copy(den_v, den_out.at[wid])
  pltpu.sync_copy(acc_sh.at[pl.ds(s * ROWS_PER_SUB, ROWS_PER_SUB)],
                  vec_out.at[c].at[pl.ds(s * ROWS_PER_SUB, ROWS_PER_SUB)])


def _sc_segsum_impl(scale, cfg, data, sids, wgt, zeros2d, zeros1d):
  return pl.kernel(
      functools.partial(_segsum_body, scale, cfg),
      out_type=(
          jax.ShapeDtypeStruct((NC, S, D), jnp.float32),
          jax.ShapeDtypeStruct((NW, S), jnp.float32),
      ),
      mesh=_SC_MESH,
      scratch_types=(
          pltpu.VMEM((2, CHUNK, D), jnp.float32),
          pltpu.VMEM((2, CHUNK), jnp.int32),
          pltpu.VMEM((2, CHUNK), jnp.float32),
          pltpu.VMEM((TAIL, D), jnp.float32),
          pltpu.VMEM((TAIL,), jnp.int32),
          pltpu.VMEM((TAIL,), jnp.float32),
          pltpu.VMEM((S,), jnp.float32),
          pltpu.VMEM_SHARED((S, D), jnp.float32),
          pltpu.SemaphoreType.DMA((2,)),
          pltpu.SemaphoreType.DMA((2,)),
          pltpu.SemaphoreType.DMA((2,)),
      ),
      compiler_params=pltpu.CompilerParams(needs_layout_passes=False),
  )(data, sids, wgt, zeros2d, zeros1d)


_sc_segsum = jax.jit(functools.partial(_sc_segsum_impl, False, CFG_FULL))
_sc_segsum_scaled_q = [
    jax.jit(functools.partial(_sc_segsum_impl, True, cfg)) for cfg in CFG_Q]


def _gather_body(cfg, table, sids, out, ids_b, rows_b, ids_tail, rows_tail,
                 table_sh, gsem, osem, isem):
  chunk_lo, base, leftover, has_tail, row_lo, _ = cfg
  c = lax.axis_index("c")
  s = lax.axis_index("s")
  wid = c * NS + s
  base_g = chunk_lo + wid * base

  pltpu.sync_copy(table.at[pl.ds(s * ROWS_PER_SUB, ROWS_PER_SUB)],
                  table_sh.at[pl.ds(s * ROWS_PER_SUB, ROWS_PER_SUB)])
  plsc.subcore_barrier()

  def start_ids(b, g):
    pltpu.async_copy(sids.at[pl.ds(g * CHUNK, CHUNK)], ids_b.at[b],
                     isem.at[b])

  def wait_ids(b):
    pltpu.make_async_copy(sids.at[pl.ds(0, CHUNK)], ids_b.at[b],
                          isem.at[b]).wait()

  def wait_out(b):
    pltpu.make_async_copy(rows_b.at[b], out.at[pl.ds(0, CHUNK)],
                          osem.at[b]).wait()

  start_ids(0, base_g)
  start_ids(1, base_g + 1)

  def body(it2, _):
    for b in range(2):
      i = 2 * it2 + b
      wait_ids(b)

      @pl.when(i >= 2)
      def _drain():
        wait_out(b)

      pltpu.async_copy(table_sh.at[ids_b.at[b]], rows_b.at[b],
                       gsem.at[b]).wait()
      pltpu.async_copy(
          rows_b.at[b],
          out.at[pl.ds((base_g + i) * CHUNK - row_lo, CHUNK)], osem.at[b])

      @pl.when(i + 2 < base)
      def _prefetch():
        start_ids(b, base_g + i + 2)
    return _

  lax.fori_loop(0, base // 2, body, None)
  wait_out(0)
  wait_out(1)

  for lw in range(leftover):
    @pl.when(wid == lw)
    def _leftover(lw=lw):
      g = chunk_lo + NW * base + lw
      pltpu.sync_copy(sids.at[pl.ds(g * CHUNK, CHUNK)], ids_b.at[0])
      pltpu.async_copy(table_sh.at[ids_b.at[0]], rows_b.at[0],
                       gsem.at[0]).wait()
      pltpu.sync_copy(rows_b.at[0], out.at[pl.ds(g * CHUNK - row_lo, CHUNK)])

  if has_tail:
    @pl.when(wid == NW - 1)
    def _tail():
      pltpu.sync_copy(sids.at[pl.ds(TAIL_BASE, TAIL)], ids_tail)
      pltpu.async_copy(table_sh.at[ids_tail], rows_tail, gsem.at[0]).wait()
      pltpu.sync_copy(rows_tail, out.at[pl.ds(TAIL_BASE - row_lo, TAIL)])


def _sc_gather_impl(cfg, table, sids):
  return pl.kernel(
      functools.partial(_gather_body, cfg),
      out_type=jax.ShapeDtypeStruct((cfg[5], D), jnp.float32),
      mesh=_SC_MESH,
      scratch_types=(
          pltpu.VMEM((2, CHUNK), jnp.int32),
          pltpu.VMEM((2, CHUNK, D), jnp.float32),
          pltpu.VMEM((TAIL,), jnp.int32),
          pltpu.VMEM((TAIL, D), jnp.float32),
          pltpu.VMEM_SHARED((S, D), jnp.float32),
          pltpu.SemaphoreType.DMA((2,)),
          pltpu.SemaphoreType.DMA((2,)),
          pltpu.SemaphoreType.DMA((2,)),
      ),
  )(table, sids)


_sc_gather_q = [
    jax.jit(functools.partial(_sc_gather_impl, cfg)) for cfg in CFG_Q]


def _anchor_body(vec_ref, den_ref, wv_ref, bv_ref, anchor_ref, featv_ref):
  seg = vec_ref[0] + vec_ref[1]
  ones = jnp.ones((NW, 1), jnp.float32)
  cnt = lax.dot_general(den_ref[...], ones, (((0,), (0,)), ((), ())),
                        preferred_element_type=jnp.float32)
  anchor = seg / jnp.maximum(cnt, 1.0)
  anchor_ref[...] = anchor
  featv = (jnp.dot(anchor, wv_ref[...], preferred_element_type=jnp.float32)
           + bv_ref[...])
  featv_ref[...] = featv


@jax.jit
def _tc_anchor(vec, den, W_v, b_v_row):
  blk = 512
  grid = S // blk
  return pl.pallas_call(
      _anchor_body,
      grid=(grid,),
      in_specs=[
          pl.BlockSpec((NC, blk, D), lambda i: (0, i, 0)),
          pl.BlockSpec((NW, blk), lambda i: (0, i)),
          pl.BlockSpec((D, D), lambda i: (0, 0)),
          pl.BlockSpec((1, D), lambda i: (0, 0)),
      ],
      out_specs=[
          pl.BlockSpec((blk, D), lambda i: (i, 0)),
          pl.BlockSpec((blk, D), lambda i: (i, 0)),
      ],
      out_shape=[
          jax.ShapeDtypeStruct((S, D), jnp.float32),
          jax.ShapeDtypeStruct((S, D), jnp.float32),
      ],
  )(vec, den, W_v, b_v_row)


def _node_body(x_ref, v_ref, wu_ref, we_ref, w_ref):
  x = x_ref[...]
  z = jnp.dot(x, wu_ref[...], preferred_element_type=jnp.float32) + v_ref[...]
  sig = jax.nn.sigmoid(z)
  e = jnp.sum(sig * we_ref[...], axis=1, keepdims=True)
  w_ref[...] = jnp.exp(e)


_NODE_BLK = 4096


def _tc_nodes_impl(blk_off, n_rows, ifeat, v_nodes, W_u, We_row):
  grid = (n_rows + _NODE_BLK - 1) // _NODE_BLK
  return pl.pallas_call(
      _node_body,
      grid=(grid,),
      in_specs=[
          pl.BlockSpec((_NODE_BLK, D), lambda i: (i + blk_off, 0)),
          pl.BlockSpec((_NODE_BLK, D), lambda i: (i, 0)),
          pl.BlockSpec((D, D), lambda i: (0, 0)),
          pl.BlockSpec((1, D), lambda i: (0, 0)),
      ],
      out_specs=pl.BlockSpec((_NODE_BLK, 1), lambda i: (i, 0)),
      out_shape=jax.ShapeDtypeStruct((n_rows, 1), jnp.float32),
  )(ifeat, v_nodes, W_u, We_row)


_tc_nodes_q = [
    jax.jit(functools.partial(_tc_nodes_impl, cfg[4] // _NODE_BLK, cfg[5]))
    for cfg in CFG_Q]


def _final_body(veca_ref, vecb_ref, vecc_ref, vecd_ref, den_ref, anchor_ref,
                out_ref):
  num = (veca_ref[0] + veca_ref[1] + vecb_ref[0] + vecb_ref[1]
         + vecc_ref[0] + vecc_ref[1] + vecd_ref[0] + vecd_ref[1])
  ones = jnp.ones((4 * NW, 1), jnp.float32)
  den = lax.dot_general(den_ref[...], ones, (((0,), (0,)), ((), ())),
                        preferred_element_type=jnp.float32)
  out_ref[:, :D] = num / jnp.maximum(den, 1e-12)
  out_ref[:, D:] = anchor_ref[...]


@jax.jit
def _tc_final(veca, vecb, vecc, vecd, den4, anchor):
  blk = 512
  grid = S // blk
  return pl.pallas_call(
      _final_body,
      grid=(grid,),
      in_specs=[
          pl.BlockSpec((NC, blk, D), lambda i: (0, i, 0)),
          pl.BlockSpec((NC, blk, D), lambda i: (0, i, 0)),
          pl.BlockSpec((NC, blk, D), lambda i: (0, i, 0)),
          pl.BlockSpec((NC, blk, D), lambda i: (0, i, 0)),
          pl.BlockSpec((4 * NW, blk), lambda i: (0, i)),
          pl.BlockSpec((blk, D), lambda i: (i, 0)),
      ],
      out_specs=pl.BlockSpec((blk, 2 * D), lambda i: (i, 0)),
      out_shape=jax.ShapeDtypeStruct((S, 2 * D), jnp.float32),
  )(veca, vecb, vecc, vecd, den4, anchor)


def kernel(ifeat, vfeat, segment_ids, next_cate, W_u, W_v, b_v, W_e):
  del vfeat, next_cate
  zeros2d = jnp.zeros((S, D), jnp.float32)
  zeros1d = jnp.zeros((S,), jnp.float32)
  ones_n = jnp.ones((N,), jnp.float32)
  We_row = W_e.reshape(1, D)

  vec1, den1 = _sc_segsum(ifeat, segment_ids, ones_n, zeros2d, zeros1d)
  anchor, feat_v = _tc_anchor(vec1, den1, W_v, b_v.reshape(1, D))
  vecs, dens = [], []
  vq = [_sc_gather_q[q](feat_v, segment_ids) for q in range(4)]
  for q in range(4):
    w_q = _tc_nodes_q[q](ifeat, vq[q], W_u, We_row)
    vec5, den5 = _sc_segsum_scaled_q[q](
        ifeat, segment_ids, w_q.reshape(CFG_Q[q][5]), zeros2d, zeros1d)
    vecs.append(vec5)
    dens.append(den5)
  den4 = jnp.concatenate(dens, axis=0)
  return _tc_final(vecs[0], vecs[1], vecs[2], vecs[3], den4, anchor)

# --- scband reference (transcript-rebuilt; emitter-appended) ---
"""Pipeline reference for scband-attn-readout-46359876993590 (READ-ONLY COPY).

The authoritative reference and input builder live on the scoring server;
editing this copy changes nothing except your own understanding.
"""

import jax, jax.numpy as jnp
import numpy as np

N_NODES = 500000
NUM_SEGMENTS = 8192
DIM = 128
TAO = 1.0


def setup_inputs(seed: int = 0) -> dict:
    key = jax.random.key(seed)
    ks = jax.random.split(key, 8)
    ifeat = jax.random.normal(ks[0], (N_NODES, DIM), dtype=jnp.float32)
    vfeat = jax.random.normal(ks[1], (NUM_SEGMENTS, DIM), dtype=jnp.float32)
    segment_ids = jnp.sort(jax.random.randint(ks[2], (N_NODES,), 0, NUM_SEGMENTS)).astype(jnp.int32)
    next_cate = jax.random.randint(ks[3], (NUM_SEGMENTS,), 0, 1000).astype(jnp.int64)
    W_u = jax.random.normal(ks[4], (DIM, DIM), dtype=jnp.float32) * (1.0 / np.sqrt(DIM))
    W_v = jax.random.normal(ks[5], (DIM, DIM), dtype=jnp.float32) * (1.0 / np.sqrt(DIM))
    b_v = jnp.zeros((DIM,), dtype=jnp.float32)
    W_e = jax.random.normal(ks[6], (DIM, 1), dtype=jnp.float32) * (1.0 / np.sqrt(DIM))
    return {
        'ifeat': ifeat,
        'vfeat': vfeat,
        'segment_ids': segment_ids,
        'next_cate': next_cate,
        'W_u': W_u,
        'W_v': W_v,
        'b_v': b_v,
        'W_e': W_e,
    }


def reference(ifeat, vfeat, segment_ids, next_cate, W_u, W_v, b_v, W_e):
    # AttnReadout with pooling_type='imean', batch_norm=False, feat_drop=0, activation=None,
    # item_dim == output_dim so fc_out is None. vfeat / next_cate unused on the 'imean' path.
    # fc_u(ifeat)
    ifeat_u = ifeat @ W_u
    # anchor_feat = segment_reduce(batch_num_nodes('i'), ifeat, 'mean')
    ones = jnp.ones((ifeat.shape[0],), dtype=ifeat.dtype)
    counts = jax.ops.segment_sum(ones, segment_ids, num_segments=NUM_SEGMENTS)
    seg_sum = jax.ops.segment_sum(ifeat, segment_ids, num_segments=NUM_SEGMENTS)
    anchor_feat = seg_sum / jnp.maximum(counts, 1.0)[:, None]
    # feat_v = fc_v(anchor_feat); broadcast_nodes over 'i'
    feat_v = anchor_feat @ W_v + b_v
    feat_v_nodes = feat_v[segment_ids]
    # e = fc_e(sigmoid(ifeat_u + feat_v))
    e = jax.nn.sigmoid(ifeat_u + feat_v_nodes) @ W_e  # [N, 1]
    logits = e / TAO
    # segment_softmax
    seg_max = jax.ops.segment_max(logits, segment_ids, num_segments=NUM_SEGMENTS)
    seg_max = jnp.where(jnp.isfinite(seg_max), seg_max, 0.0)
    seg_max = jax.lax.stop_gradient(seg_max)
    ex = jnp.exp(logits - seg_max[segment_ids])
    denom = jax.ops.segment_sum(ex, segment_ids, num_segments=NUM_SEGMENTS)
    alpha = ex / jnp.maximum(denom[segment_ids], 1e-12)
    # rst = segment_reduce(..., ifeat * alpha, 'sum')
    feat_norm = ifeat * alpha
    rst = jax.ops.segment_sum(feat_norm, segment_ids, num_segments=NUM_SEGMENTS)
    # fc_out is None (output_dim == item_dim); activation is None
    rst = jnp.concatenate([rst, anchor_feat], axis=1)
    return rst

if __name__ == "__main__":
    import jax
    _d = setup_inputs()
    print(jax.jit(kernel)(*tuple(_d.values())))

</pallas_src>

<mosaic_0001>
#map = affine_map<(d0, d1) -> (0, 0)>
#map1 = affine_map<(d0, d1) -> (0)>
#map2 = affine_map<(d0, d1) -> (0, 0, 0)>
module attributes {stable_mosaic.version = 14 : i64} {
  func.func @_segsum_body(%arg0: i32, %arg1: i32, %arg2: memref<500000x128xf32, #tpu.memory_space<hbm>>, %arg3: memref<500000xi32, #tpu.memory_space<hbm>>, %arg4: memref<500000xf32, #tpu.memory_space<hbm>>, %arg5: memref<8192x128xf32, #tpu.memory_space<hbm>>, %arg6: memref<8192xf32, #tpu.memory_space<hbm>>, %arg7: memref<2x8192x128xf32, #tpu.memory_space<hbm>>, %arg8: memref<32x8192xf32, #tpu.memory_space<hbm>>, %arg9: memref<2x128x128xf32, #tpu.memory_space<vmem>>, %arg10: memref<2x128xi32, #tpu.memory_space<vmem>>, %arg11: memref<2x128xf32, #tpu.memory_space<vmem>>, %arg12: memref<32x128xf32, #tpu.memory_space<vmem>>, %arg13: memref<32xi32, #tpu.memory_space<vmem>>, %arg14: memref<32xf32, #tpu.memory_space<vmem>>, %arg15: memref<8192xf32, #tpu.memory_space<vmem>>, %arg16: memref<8192x128xf32, #tpu.memory_space<vmem_shared>>, %arg17: memref<2x!tpu.dma_semaphore, #tpu.memory_space<semaphore_mem>>, %arg18: memref<2x!tpu.dma_semaphore, #tpu.memory_space<semaphore_mem>>, %arg19: memref<2x!tpu.dma_semaphore, #tpu.memory_space<semaphore_mem>>) attributes {dimension_semantics = [#tpu.dimension_semantics<core_parallel>, #tpu.dimension_semantics<subcore_parallel>], iteration_bounds = array<i64: 2, 16>, scalar_prefetch = 0 : i64, scratch_operands = 11 : i64, tpu.core_type = #tpu.core_type<sc_vector_subcore>, window_params = [{transform_indices = #map}, {transform_indices = #map1}, {transform_indices = #map1}, {transform_indices = #map}, {transform_indices = #map1}, {transform_indices = #map2}, {transform_indices = #map}]} {
    %mul3A = arith.constant 16 : i32
    %mul3A_0 = arith.muli %arg0, %mul3A : i32
    %add3A = arith.addi %mul3A_0, %arg1 : i32
    %mul3A_1 = arith.constant 122 : i32
    %mul3A_2 = arith.muli %add3A, %mul3A_1 : i32
    %add3A_3 = arith.constant 0 : i32
    %add3A_4 = arith.addi %add3A_3, %mul3A_2 : i32
    %mul3A_5 = arith.constant 512 : i32
    %mul3A_6 = arith.muli %arg1, %mul3A_5 : i32
    %mul3A_7 = arith.constant 512 : i32
    %mul3A_8 = arith.muli %arg1, %mul3A_7 : i32
    "tpu.region"() ({
      %run_scoped3A = tpu.sem_alloc : memref<!tpu.dma_semaphore, #tpu.memory_space<semaphore_mem>>
      %dma_start3A_118 = arith.constant 0 : i32
      %dma_start3A_119 = tpu.memref_slice %arg16[%mul3A_8, %dma_start3A_118] : memref<8192x128xf32, #tpu.memory_space<vmem_shared>> -> memref<512x128xf32, #tpu.memory_space<vmem_shared>>
      %dma_start3A_120 = arith.constant 0 : i32
      %dma_start3A_121 = tpu.memref_slice %arg5[%mul3A_6, %dma_start3A_120] : memref<8192x128xf32, #tpu.memory_space<hbm>> -> memref<512x128xf32, #tpu.memory_space<hbm>>
      tpu.enqueue_dma source(%dma_start3A_121 : memref<512x128xf32, #tpu.memory_space<hbm>>) target(%dma_start3A_119 : memref<512x128xf32, #tpu.memory_space<vmem_shared>>) target_semaphore(%run_scoped3A : memref<!tpu.dma_semaphore, #tpu.memory_space<semaphore_mem>>)
      %dma_wait3A = arith.constant 0 : i32
      %dma_wait3A_122 = tpu.memref_slice %arg16[%mul3A_8, %dma_wait3A] : memref<8192x128xf32, #tpu.memory_space<vmem_shared>> -> memref<512x128xf32, #tpu.memory_space<vmem_shared>>
      %dma_wait3A_123 = arith.constant 0 : i32
      %dma_wait3A_124 = tpu.memref_slice %arg5[%mul3A_6, %dma_wait3A_123] : memref<8192x128xf32, #tpu.memory_space<hbm>> -> memref<512x128xf32, #tpu.memory_space<hbm>>
      tpu.wait_dma2 semaphore(%run_scoped3A : memref<!tpu.dma_semaphore, #tpu.memory_space<semaphore_mem>>) src(%dma_wait3A_124 : memref<512x128xf32, #tpu.memory_space<hbm>>) dst(%dma_wait3A_122 : memref<512x128xf32, #tpu.memory_space<vmem_shared>>)
      tpu.yield
    }) : () -> ()
    "tpu.region"() ({
      %run_scoped3A = tpu.sem_alloc : memref<!tpu.dma_semaphore, #tpu.memory_space<semaphore_mem>>
      tpu.enqueue_dma source(%arg6 : memref<8192xf32, #tpu.memory_space<hbm>>) target(%arg15 : memref<8192xf32, #tpu.memory_space<vmem>>) target_semaphore(%run_scoped3A : memref<!tpu.dma_semaphore, #tpu.memory_space<semaphore_mem>>)
      tpu.wait_dma2 semaphore(%run_scoped3A : memref<!tpu.dma_semaphore, #tpu.memory_space<semaphore_mem>>) src(%arg6 : memref<8192xf32, #tpu.memory_space<hbm>>) dst(%arg15 : memref<8192xf32, #tpu.memory_space<vmem>>)
      tpu.yield
    }) : () -> ()
    %barrier3A = arith.constant 0 : index
    tpu.barrier barrier_id(%barrier3A)
    %mul3A_9 = arith.constant 128 : i32
    %mul3A_10 = arith.muli %add3A_4, %mul3A_9 : i32
    %dma_start3A = arith.constant 0 : i32
    %dma_start3A_11 = arith.constant 0 : i32
    %dma_start3A_12 = arith.constant 0 : i32
    %dma_start3A_13 = arith.constant 0 : i32
    %dma_start3A_14 = tpu.memref_slice %arg9[%dma_start3A, %dma_start3A_12, %dma_start3A_13] : memref<2x128x128xf32, #tpu.memory_space<vmem>> -> memref<1x128x128xf32, #tpu.memory_space<vmem>>
    %dma_start3A_15 = tpu.memref_squeeze %dma_start3A_14 : memref<1x128x128xf32, #tpu.memory_space<vmem>> -> memref<128x128xf32, #tpu.memory_space<vmem>>
    %dma_start3A_16 = arith.constant 0 : i32
    %dma_start3A_17 = tpu.memref_slice %arg2[%mul3A_10, %dma_start3A_16] : memref<500000x128xf32, #tpu.memory_space<hbm>> -> memref<128x128xf32, #tpu.memory_space<hbm>>
    %dma_start3A_18 = tpu.memref_slice %arg17[%dma_start3A_11] : memref<2x!tpu.dma_semaphore, #tpu.memory_space<semaphore_mem>> -> memref<1x!tpu.dma_semaphore, #tpu.memory_space<semaphore_mem>>
    %dma_start3A_19 = tpu.memref_squeeze %dma_start3A_18 : memref<1x!tpu.dma_semaphore, #tpu.memory_space<semaphore_mem>> -> memref<!tpu.dma_semaphore, #tpu.memory_space<semaphore_mem>>
    %dma_start3A_20 = arith.constant 0 : i32
    %dma_start3A_21 = arith.constant 0 : i32
    %dma_start3A_22 = tpu.memref_slice %arg9[%dma_start3A, %dma_start3A_20, %dma_start3A_21] : memref<2x128x128xf32, #tpu.memory_space<vmem>> -> memref<1x128x128xf32, #tpu.memory_space<vmem>>
    %dma_start3A_23 = tpu.memref_squeeze %dma_start3A_22 : memref<1x128x128xf32, #tpu.memory_space<vmem>> -> memref<128x128xf32, #tpu.memory_space<vmem>>
    %dma_start3A_24 = arith.constant 0 : i32
    %dma_start3A_25 = tpu.memref_slice %arg2[%mul3A_10, %dma_start3A_24] : memref<500000x128xf32, #tpu.memory_space<hbm>> -> memref<128x128xf32, #tpu.memory_space<hbm>>
    tpu.enqueue_dma source(%dma_start3A_25 : memref<128x128xf32, #tpu.memory_space<hbm>>) target(%dma_start3A_23 : memref<128x128xf32, #tpu.memory_space<vmem>>) target_semaphore(%dma_start3A_19 : memref<!tpu.dma_semaphore, #tpu.memory_space<semaphore_mem>>)
    %dma_start3A_26 = arith.constant 0 : i32
    %dma_start3A_27 = arith.constant 0 : i32
    %dma_start3A_28 = arith.constant 0 : i32
    %dma_start3A_29 = tpu.memref_slice %arg10[%dma_start3A_26, %dma_start3A_28] : memref<2x128xi32, #tpu.memory_space<vmem>> -> memref<1x128xi32, #tpu.memory_space<vmem>>
    %dma_start3A_30 = tpu.memref_squeeze %dma_start3A_29 : memref<1x128xi32, #tpu.memory_space<vmem>> -> memref<128xi32, #tpu.memory_space<vmem>>
    %dma_start3A_31 = tpu.memref_slice %arg3[%mul3A_10] : memref<500000xi32, #tpu.memory_space<hbm>> -> memref<128xi32, #tpu.memory_space<hbm>>
    %dma_start3A_32 = tpu.memref_slice %arg18[%dma_start3A_27] : memref<2x!tpu.dma_semaphore, #tpu.memory_space<semaphore_mem>> -> memref<1x!tpu.dma_semaphore, #tpu.memory_space<semaphore_mem>>
    %dma_start3A_33 = tpu.memref_squeeze %dma_start3A_32 : memref<1x!tpu.dma_semaphore, #tpu.memory_space<semaphore_mem>> -> memref<!tpu.dma_semaphore, #tpu.memory_space<semaphore_mem>>
    %dma_start3A_34 = arith.constant 0 : i32
    %dma_start3A_35 = tpu.memref_slice %arg10[%dma_start3A_26, %dma_start3A_34] : memref<2x128xi32, #tpu.memory_space<vmem>> -> memref<1x128xi32, #tpu.memory_space<vmem>>
    %dma_start3A_36 = tpu.memref_squeeze %dma_start3A_35 : memref<1x128xi32, #tpu.memory_space<vmem>> -> memref<128xi32, #tpu.memory_space<vmem>>
    %dma_start3A_37 = tpu.memref_slice %arg3[%mul3A_10] : memref<500000xi32, #tpu.memory_space<hbm>> -> memref<128xi32, #tpu.memory_space<hbm>>
    tpu.enqueue_dma source(%dma_start3A_37 : memref<128xi32, #tpu.memory_space<hbm>>) target(%dma_start3A_36 : memref<128xi32, #tpu.memory_space<vmem>>) target_semaphore(%dma_start3A_33 : memref<!tpu.dma_semaphore, #tpu.memory_space<semaphore_mem>>)
    %sub3A = arith.constant 0 : i32
    %sub3A_38 = arith.subi %mul3A_10, %sub3A : i32
    %dma_start3A_39 = arith.constant 0 : i32
    %dma_start3A_40 = arith.constant 0 : i32
    %dma_start3A_41 = arith.constant 0 : i32
    %dma_start3A_42 = tpu.memref_slice %arg11[%dma_start3A_39, %dma_start3A_41] : memref<2x128xf32, #tpu.memory_space<vmem>> -> memref<1x128xf32, #tpu.memory_space<vmem>>
    %dma_start3A_43 = tpu.memref_squeeze %dma_start3A_42 : memref<1x128xf32, #tpu.memory_space<vmem>> -> memref<128xf32, #tpu.memory_space<vmem>>
    %dma_start3A_44 = tpu.memref_slice %arg4[%sub3A_38] : memref<500000xf32, #tpu.memory_space<hbm>> -> memref<128xf32, #tpu.memory_space<hbm>>
    %dma_start3A_45 = tpu.memref_slice %arg19[%dma_start3A_40] : memref<2x!tpu.dma_semaphore, #tpu.memory_space<semaphore_mem>> -> memref<1x!tpu.dma_semaphore, #tpu.memory_space<semaphore_mem>>
    %dma_start3A_46 = tpu.memref_squeeze %dma_start3A_45 : memref<1x!tpu.dma_semaphore, #tpu.memory_space<semaphore_mem>> -> memref<!tpu.dma_semaphore, #tpu.memory_space<semaphore_mem>>
    %dma_start3A_47 = arith.constant 0 : i32
    %dma_start3A_48 = tpu.memref_slice %arg11[%dma_start3A_39, %dma_start3A_47] : memref<2x128xf32, #tpu.memory_space<vmem>> -> memref<1x128xf32, #tpu.memory_space<vmem>>
    %dma_start3A_49 = tpu.memref_squeeze %dma_start3A_48 : memref<1x128xf32, #tpu.memory_space<vmem>> -> memref<128xf32, #tpu.memory_space<vmem>>
    %dma_start3A_50 = tpu.memref_slice %arg4[%sub3A_38] : memref<500000xf32, #tpu.memory_space<hbm>> -> memref<128xf32, #tpu.memory_space<hbm>>
    tpu.enqueue_dma source(%dma_start3A_50 : memref<128xf32, #tpu.memory_space<hbm>>) target(%dma_start3A_49 : memref<128xf32, #tpu.memory_space<vmem>>) target_semaphore(%dma_start3A_46 : memref<!tpu.dma_semaphore, #tpu.memory_space<semaphore_mem>>)
    %add3A_51 = arith.constant 1 : i32
    %add3A_52 = arith.addi %add3A_4, %add3A_51 : i32
    %mul3A_53 = arith.constant 128 : i32
    %mul3A_54 = arith.muli %add3A_52, %mul3A_53 : i32
    %dma_start3A_55 = arith.constant 1 : i32
    %dma_start3A_56 = arith.constant 1 : i32
    %dma_start3A_57 = arith.constant 0 : i32
    %dma_start3A_58 = arith.constant 0 : i32
    %dma_start3A_59 = tpu.memref_slice %arg9[%dma_start3A_55, %dma_start3A_57, %dma_start3A_58] : memref<2x128x128xf32, #tpu.memory_space<vmem>> -> memref<1x128x128xf32, #tpu.memory_space<vmem>>
    %dma_start3A_60 = tpu.memref_squeeze %dma_start3A_59 : memref<1x128x128xf32, #tpu.memory_space<vmem>> -> memref<128x128xf32, #tpu.memory_space<vmem>>
    %dma_start3A_61 = arith.constant 0 : i32
    %dma_start3A_62 = tpu.memref_slice %arg2[%mul3A_54, %dma_start3A_61] : memref<500000x128xf32, #tpu.memory_space<hbm>> -> memref<128x128xf32, #tpu.memory_space<hbm>>
    %dma_start3A_63 = tpu.memref_slice %arg17[%dma_start3A_56] : memref<2x!tpu.dma_semaphore, #tpu.memory_space<semaphore_mem>> -> memref<1x!tpu.dma_semaphore, #tpu.memory_space<semaphore_mem>>
    %dma_start3A_64 = tpu.memref_squeeze %dma_start3A_63 : memref<1x!tpu.dma_semaphore, #tpu.memory_space<semaphore_mem>> -> memref<!tpu.dma_semaphore, #tpu.memory_space<semaphore_mem>>
    %dma_start3A_65 = arith.constant 0 : i32
    %dma_start3A_66 = arith.constant 0 : i32
    %dma_start3A_67 = tpu.memref_slice %arg9[%dma_start3A_55, %dma_start3A_65, %dma_start3A_66] : memref<2x128x128xf32, #tpu.memory_space<vmem>> -> memref<1x128x128xf32, #tpu.memory_space<vmem>>
    %dma_start3A_68 = tpu.memref_squeeze %dma_start3A_67 : memref<1x128x128xf32, #tpu.memory_space<vmem>> -> memref<128x128xf32, #tpu.memory_space<vmem>>
    %dma_start3A_69 = arith.constant 0 : i32
    %dma_start3A_70 = tpu.memref_slice %arg2[%mul3A_54, %dma_start3A_69] : memref<500000x128xf32, #tpu.memory_space<hbm>> -> memref<128x128xf32, #tpu.memory_space<hbm>>
    tpu.enqueue_dma source(%dma_start3A_70 : memref<128x128xf32, #tpu.memory_space<hbm>>) target(%dma_start3A_68 : memref<128x128xf32, #tpu.memory_space<vmem>>) target_semaphore(%dma_start3A_64 : memref<!tpu.dma_semaphore, #tpu.memory_space<semaphore_mem>>)
    %dma_start3A_71 = arith.constant 1 : i32
    %dma_start3A_72 = arith.constant 1 : i32
    %dma_start3A_73 = arith.constant 0 : i32
    %dma_start3A_74 = tpu.memref_slice %arg10[%dma_start3A_71, %dma_start3A_73] : memref<2x128xi32, #tpu.memory_space<vmem>> -> memref<1x128xi32, #tpu.memory_space<vmem>>
    %dma_start3A_75 = tpu.memref_squeeze %dma_start3A_74 : memref<1x128xi32, #tpu.memory_space<vmem>> -> memref<128xi32, #tpu.memory_space<vmem>>
    %dma_start3A_76 = tpu.memref_slice %arg3[%mul3A_54] : memref<500000xi32, #tpu.memory_space<hbm>> -> memref<128xi32, #tpu.memory_space<hbm>>
    %dma_start3A_77 = tpu.memref_slice %arg18[%dma_start3A_72] : memref<2x!tpu.dma_semaphore, #tpu.memory_space<semaphore_mem>> -> memref<1x!tpu.dma_semaphore, #tpu.memory_space<semaphore_mem>>
    %dma_start3A_78 = tpu.memref_squeeze %dma_start3A_77 : memref<1x!tpu.dma_semaphore, #tpu.memory_space<semaphore_mem>> -> memref<!tpu.dma_semaphore, #tpu.memory_space<semaphore_mem>>
    %dma_start3A_79 = arith.constant 0 : i32
    %dma_start3A_80 = tpu.memref_slice %arg10[%dma_start3A_71, %dma_start3A_79] : memref<2x128xi32, #tpu.memory_space<vmem>> -> memref<1x128xi32, #tpu.memory_space<vmem>>
    %dma_start3A_81 = tpu.memref_squeeze %dma_start3A_80 : memref<1x128xi32, #tpu.memory_space<vmem>> -> memref<128xi32, #tpu.memory_space<vmem>>
    %dma_start3A_82 = tpu.memref_slice %arg3[%mul3A_54] : memref<500000xi32, #tpu.memory_space<hbm>> -> memref<128xi32, #tpu.memory_space<hbm>>
    tpu.enqueue_dma source(%dma_start3A_82 : memref<128xi32, #tpu.memory_space<hbm>>) target(%dma_start3A_81 : memref<128xi32, #tpu.memory_space<vmem>>) target_semaphore(%dma_start3A_78 : memref<!tpu.dma_semaphore, #tpu.memory_space<semaphore_mem>>)
    %sub3A_83 = arith.constant 0 : i32
    %sub3A_84 = arith.subi %mul3A_54, %sub3A_83 : i32
    %dma_start3A_85 = arith.constant 1 : i32
    %dma_start3A_86 = arith.constant 1 : i32
    %dma_start3A_87 = arith.constant 0 : i32
    %dma_start3A_88 = tpu.memref_slice %arg11[%dma_start3A_85, %dma_start3A_87] : memref<2x128xf32, #tpu.memory_space<vmem>> -> memref<1x128xf32, #tpu.memory_space<vmem>>
    %dma_start3A_89 = tpu.memref_squeeze %dma_start3A_88 : memref<1x128xf32, #tpu.memory_space<vmem>> -> memref<128xf32, #tpu.memory_space<vmem>>
    %dma_start3A_90 = tpu.memref_slice %arg4[%sub3A_84] : memref<500000xf32, #tpu.memory_space<hbm>> -> memref<128xf32, #tpu.memory_space<hbm>>
    %dma_start3A_91 = tpu.memref_slice %arg19[%dma_start3A_86] : memref<2x!tpu.dma_semaphore, #tpu.memory_space<semaphore_mem>> -> memref<1x!tpu.dma_semaphore, #tpu.memory_space<semaphore_mem>>
    %dma_start3A_92 = tpu.memref_squeeze %dma_start3A_91 : memref<1x!tpu.dma_semaphore, #tpu.memory_space<semaphore_mem>> -> memref<!tpu.dma_semaphore, #tpu.memory_space<semaphore_mem>>
    %dma_start3A_93 = arith.constant 0 : i32
    %dma_start3A_94 = tpu.memref_slice %arg11[%dma_start3A_85, %dma_start3A_93] : memref<2x128xf32, #tpu.memory_space<vmem>> -> memref<1x128xf32, #tpu.memory_space<vmem>>
    %dma_start3A_95 = tpu.memref_squeeze %dma_start3A_94 : memref<1x128xf32, #tpu.memory_space<vmem>> -> memref<128xf32, #tpu.memory_space<vmem>>
    %dma_start3A_96 = tpu.memref_slice %arg4[%sub3A_84] : memref<500000xf32, #tpu.memory_space<hbm>> -> memref<128xf32, #tpu.memory_space<hbm>>
    tpu.enqueue_dma source(%dma_start3A_96 : memref<128xf32, #tpu.memory_space<hbm>>) target(%dma_start3A_95 : memref<128xf32, #tpu.memory_space<vmem>>) target_semaphore(%dma_start3A_92 : memref<!tpu.dma_semaphore, #tpu.memory_space<semaphore_mem>>)
    %scan3A = arith.constant 0 : i32
    %scan3A_97 = arith.constant 61 : i32
    %scan3A_98 = arith.addi %scan3A, %scan3A_97 : i32
    %scan3A_99 = arith.constant 1 : i32
    scf.for %scan3A_118 = %scan3A to %scan3A_98 step %scan3A_99  : i32 {
      %mul3A_119 = arith.constant 2 : i32
      %mul3A_120 = arith.muli %mul3A_119, %scan3A_118 : i32
      %add3A_121 = arith.constant 0 : i32
      %add3A_122 = arith.addi %mul3A_120, %add3A_121 : i32
      %dma_wait3A = arith.constant 0 : i32
      %dma_wait3A_123 = arith.constant 0 : i32
      %dma_wait3A_124 = arith.constant 0 : i32
      %dma_wait3A_125 = arith.constant 0 : i32
      %dma_wait3A_126 = tpu.memref_slice %arg9[%dma_wait3A, %dma_wait3A_124, %dma_wait3A_125] : memref<2x128x128xf32, #tpu.memory_space<vmem>> -> memref<1x128x128xf32, #tpu.memory_space<vmem>>
      %dma_wait3A_127 = tpu.memref_squeeze %dma_wait3A_126 : memref<1x128x128xf32, #tpu.memory_space<vmem>> -> memref<128x128xf32, #tpu.memory_space<vmem>>
      %dma_wait3A_128 = arith.constant 0 : i32
      %dma_wait3A_129 = arith.constant 0 : i32
      %dma_wait3A_130 = tpu.memref_slice %arg2[%dma_wait3A_128, %dma_wait3A_129] : memref<500000x128xf32, #tpu.memory_space<hbm>> -> memref<128x128xf32, #tpu.memory_space<hbm>>
      %dma_wait3A_131 = tpu.memref_slice %arg17[%dma_wait3A_123] : memref<2x!tpu.dma_semaphore, #tpu.memory_space<semaphore_mem>> -> memref<1x!tpu.dma_semaphore, #tpu.memory_space<semaphore_mem>>
      %dma_wait3A_132 = tpu.memref_squeeze %dma_wait3A_131 : memref<1x!tpu.dma_semaphore, #tpu.memory_space<semaphore_mem>> -> memref<!tpu.dma_semaphore, #tpu.memory_space<semaphore_mem>>
      %dma_wait3A_133 = arith.constant 0 : i32
      %dma_wait3A_134 = arith.constant 0 : i32
      %dma_wait3A_135 = tpu.memref_slice %arg9[%dma_wait3A, %dma_wait3A_133, %dma_wait3A_134] : memref<2x128x128xf32, #tpu.memory_space<vmem>> -> memref<1x128x128xf32, #tpu.memory_space<vmem>>
      %dma_wait3A_136 = tpu.memref_squeeze %dma_wait3A_135 : memref<1x128x128xf32, #tpu.memory_space<vmem>> -> memref<128x128xf32, #tpu.memory_space<vmem>>
      %dma_wait3A_137 = arith.constant 0 : i32
      %dma_wait3A_138 = arith.constant 0 : i32
      %dma_wait3A_139 = tpu.memref_slice %arg2[%dma_wait3A_137, %dma_wait3A_138] : memref<500000x128xf32, #tpu.memory_space<hbm>> -> memref<128x128xf32, #tpu.memory_space<hbm>>
      tpu.wait_dma2 semaphore(%dma_wait3A_132 : memref<!tpu.dma_semaphore, #tpu.memory_space<semaphore_mem>>) src(%dma_wait3A_139 : memref<128x128xf32, #tpu.memory_space<hbm>>) dst(%dma_wait3A_136 : memref<128x128xf32, #tpu.memory_space<vmem>>)
      %dma_wait3A_140 = arith.constant 0 : i32
      %dma_wait3A_141 = arith.constant 0 : i32
      %dma_wait3A_142 = arith.constant 0 : i32
      %dma_wait3A_143 = tpu.memref_slice %arg10[%dma_wait3A_140, %dma_wait3A_142] : memref<2x128xi32, #tpu.memory_space<vmem>> -> memref<1x128xi32, #tpu.memory_space<vmem>>
      %dma_wait3A_144 = tpu.memref_squeeze %dma_wait3A_143 : memref<1x128xi32, #tpu.memory_space<vmem>> -> memref<128xi32, #tpu.memory_space<vmem>>
      %dma_wait3A_145 = arith.constant 0 : i32
      %dma_wait3A_146 = tpu.memref_slice %arg3[%dma_wait3A_145] : memref<500000xi32, #tpu.memory_space<hbm>> -> memref<128xi32, #tpu.memory_space<hbm>>
      %dma_wait3A_147 = tpu.memref_slice %arg18[%dma_wait3A_141] : memref<2x!tpu.dma_semaphore, #tpu.memory_space<semaphore_mem>> -> memref<1x!tpu.dma_semaphore, #tpu.memory_space<semaphore_mem>>
      %dma_wait3A_148 = tpu.memref_squeeze %dma_wait3A_147 : memref<1x!tpu.dma_semaphore, #tpu.memory_space<semaphore_mem>> -> memref<!tpu.dma_semaphore, #tpu.memory_space<semaphore_mem>>
      %dma_wait3A_149 = arith.constant 0 : i32
      %dma_wait3A_150 = tpu.memref_slice %arg10[%dma_wait3A_140, %dma_wait3A_149] : memref<2x128xi32, #tpu.memory_space<vmem>> -> memref<1x128xi32, #tpu.memory_space<vmem>>
      %dma_wait3A_151 = tpu.memref_squeeze %dma_wait3A_150 : memref<1x128xi32, #tpu.memory_space<vmem>> -> memref<128xi32, #tpu.memory_space<vmem>>
      %dma_wait3A_152 = arith.constant 0 : i32
      %dma_wait3A_153 = tpu.memref_slice %arg3[%dma_wait3A_152] : memref<500000xi32, #tpu.memory_space<hbm>> -> memref<128xi32, #tpu.memory_space<hbm>>
      tpu.wait_dma2 semaphore(%dma_wait3A_148 : memref<!tpu.dma_semaphore, #tpu.memory_space<semaphore_mem>>) src(%dma_wait3A_153 : memref<128xi32, #tpu.memory_space<hbm>>) dst(%dma_wait3A_151 : memref<128xi32, #tpu.memory_space<vmem>>)
      %dma_wait3A_154 = arith.constant 0 : i32
      %dma_wait3A_155 = arith.constant 0 : i32
      %dma_wait3A_156 = arith.constant 0 : i32
      %dma_wait3A_157 = tpu.memref_slice %arg11[%dma_wait3A_154, %dma_wait3A_156] : memref<2x128xf32, #tpu.memory_space<vmem>> -> memref<1x128xf32, #tpu.memory_space<vmem>>
      %dma_wait3A_158 = tpu.memref_squeeze %dma_wait3A_157 : memref<1x128xf32, #tpu.memory_space<vmem>> -> memref<128xf32, #tpu.memory_space<vmem>>
      %dma_wait3A_159 = arith.constant 0 : i32
      %dma_wait3A_160 = tpu.memref_slice %arg4[%dma_wait3A_159] : memref<500000xf32, #tpu.memory_space<hbm>> -> memref<128xf32, #tpu.memory_space<hbm>>
      %dma_wait3A_161 = tpu.memref_slice %arg19[%dma_wait3A_155] : memref<2x!tpu.dma_semaphore, #tpu.memory_space<semaphore_mem>> -> memref<1x!tpu.dma_semaphore, #tpu.memory_space<semaphore_mem>>
      %dma_wait3A_162 = tpu.memref_squeeze %dma_wait3A_161 : memref<1x!tpu.dma_semaphore, #tpu.memory_space<semaphore_mem>> -> memref<!tpu.dma_semaphore, #tpu.memory_space<semaphore_mem>>
      %dma_wait3A_163 = arith.constant 0 : i32
      %dma_wait3A_164 = tpu.memref_slice %arg11[%dma_wait3A_154, %dma_wait3A_163] : memref<2x128xf32, #tpu.memory_space<vmem>> -> memref<1x128xf32, #tpu.memory_space<vmem>>
      %dma_wait3A_165 = tpu.memref_squeeze %dma_wait3A_164 : memref<1x128xf32, #tpu.memory_space<vmem>> -> memref<128xf32, #tpu.memory_space<vmem>>
      %dma_wait3A_166 = arith.constant 0 : i32
      %dma_wait3A_167 = tpu.memref_slice %arg4[%dma_wait3A_166] : memref<500000xf32, #tpu.memory_space<hbm>> -> memref<128xf32, #tpu.memory_space<hbm>>
      tpu.wait_dma2 semaphore(%dma_wait3A_162 : memref<!tpu.dma_semaphore, #tpu.memory_space<semaphore_mem>>) src(%dma_wait3A_167 : memref<128xf32, #tpu.memory_space<hbm>>) dst(%dma_wait3A_165 : memref<128xf32, #tpu.memory_space<vmem>>)
      %get3A = arith.constant 0 : i32
      %get3A_168 = arith.constant 0 : i32
      %get3A_169 = tpu.memref_slice %arg10[%get3A, %get3A_168] : memref<2x128xi32, #tpu.memory_space<vmem>> -> memref<1x128xi32, #tpu.memory_space<vmem>>
      %get3A_170 = tpu.memref_squeeze %get3A_169 : memref<1x128xi32, #tpu.memory_space<vmem>> -> memref<128xi32, #tpu.memory_space<vmem>>
      %get3A_171 = arith.constant 0 : index
      %get3A_172 = tpu.vector_load %get3A_170[%get3A_171] {strides = array<i32>} : memref<128xi32, #tpu.memory_space<vmem>>, vector<16xi32>,
      %get3A_173 = arith.constant 0 : i32
      %get3A_174 = arith.constant 0 : i32
      %get3A_175 = tpu.memref_slice %arg11[%get3A_173, %get3A_174] : memref<2x128xf32, #tpu.memory_space<vmem>> -> memref<1x128xf32, #tpu.memory_space<vmem>>
      %get3A_176 = tpu.memref_squeeze %get3A_175 : memref<1x128xf32, #tpu.memory_space<vmem>> -> memref<128xf32, #tpu.memory_space<vmem>>
      %get3A_177 = arith.constant 0 : index
      %get3A_178 = tpu.vector_load %get3A_176[%get3A_177] {strides = array<i32>} : memref<128xf32, #tpu.memory_space<vmem>>, vector<16xf32>,
      tpu.vector_store_idx %arg15[%get3A_172], %get3A_178 {add = true} : memref<8192xf32, #tpu.memory_space<vmem>>[vector<16xi32>], vector<16xf32>,
      %get3A_179 = arith.constant 0 : i32
      %get3A_180 = arith.constant 0 : i32
      %get3A_181 = tpu.memref_slice %arg10[%get3A_179, %get3A_180] : memref<2x128xi32, #tpu.memory_space<vmem>> -> memref<1x128xi32, #tpu.memory_space<vmem>>
      %get3A_182 = tpu.memref_squeeze %get3A_181 : memref<1x128xi32, #tpu.memory_space<vmem>> -> memref<128xi32, #tpu.memory_space<vmem>>
      %get3A_183 = arith.constant 16 : index
      %get3A_184 = tpu.vector_load %get3A_182[%get3A_183] {strides = array<i32>} : memref<128xi32, #tpu.memory_space<vmem>>, vector<16xi32>,
      %get3A_185 = arith.constant 0 : i32
      %get3A_186 = arith.constant 0 : i32
      %get3A_187 = tpu.memref_slice %arg11[%get3A_185, %get3A_186] : memref<2x128xf32, #tpu.memory_space<vmem>> -> memref<1x128xf32, #tpu.memory_space<vmem>>
      %get3A_188 = tpu.memref_squeeze %get3A_187 : memref<1x128xf32, #tpu.memory_space<vmem>> -> memref<128xf32, #tpu.memory_space<vmem>>
      %get3A_189 = arith.constant 16 : index
      %get3A_190 = tpu.vector_load %get3A_188[%get3A_189] {strides = array<i32>} : memref<128xf32, #tpu.memory_space<vmem>>, vector<16xf32>,
      tpu.vector_store_idx %arg15[%get3A_184], %get3A_190 {add = true} : memref<8192xf32, #tpu.memory_space<vmem>>[vector<16xi32>], vector<16xf32>,
      %get3A_191 = arith.constant 0 : i32
      %get3A_192 = arith.constant 0 : i32
      %get3A_193 = tpu.memref_slice %arg10[%get3A_191, %get3A_192] : memref<2x128xi32, #tpu.memory_space<vmem>> -> memref<1x128xi32, #tpu.memory_space<vmem>>
      %get3A_194 = tpu.memref_squeeze %get3A_193 : memref<1x128xi32, #tpu.memory_space<vmem>> -> memref<128xi32, #tpu.memory_space<vmem>>
      %get3A_195 = arith.constant 32 : index
      %get3A_196 = tpu.vector_load %get3A_194[%get3A_195] {strides = array<i32>} : memref<128xi32, #tpu.memory_space<vmem>>, vector<16xi32>,
      %get3A_197 = arith.constant 0 : i32
      %get3A_198 = arith.constant 0 : i32
      %get3A_199 = tpu.memref_slice %arg11[%get3A_197, %get3A_198] : memref<2x128xf32, #tpu.memory_space<vmem>> -> memref<1x128xf32, #tpu.memory_space<vmem>>
      %get3A_200 = tpu.memref_squeeze %get3A_199 : memref<1x128xf32, #tpu.memory_space<vmem>> -> memref<128xf32, #tpu.memory_space<vmem>>
      %get3A_201 = arith.constant 32 : index
      %get3A_202 = tpu.vector_load %get3A_200[%get3A_201] {strides = array<i32>} : memref<128xf32, #tpu.memory_space<vmem>>, vector<16xf32>,
      tpu.vector_store_idx %arg15[%get3A_196], %get3A_202 {add = true} : memref<8192xf32, #tpu.memory_space<vmem>>[vector<16xi32>], vector<16xf32>,
      %get3A_203 = arith.constant 0 : i32
      %get3A_204 = arith.constant 0 : i32
      %get3A_205 = tpu.memref_slice %arg10[%get3A_203, %get3A_204] : memref<2x128xi32, #tpu.memory_space<vmem>> -> memref<1x128xi32, #tpu.memory_space<vmem>>
      %get3A_206 = tpu.memref_squeeze %get3A_205 : memref<1x128xi32, #tpu.memory_space<vmem>> -> memref<128xi32, #tpu.memory_space<vmem>>
      %get3A_207 = arith.constant 48 : index
      %get3A_208 = tpu.vector_load %get3A_206[%get3A_207] {strides = array<i32>} : memref<128xi32, #tpu.memory_space<vmem>>, vector<16xi32>,
      %get3A_209 = arith.constant 0 : i32
      %get3A_210 = arith.constant 0 : i32
      %get3A_211 = tpu.memref_slice %arg11[%get3A_209, %get3A_210] : memref<2x128xf32, #tpu.memory_space<vmem>> -> memref<1x128xf32, #tpu.memory_space<vmem>>
      %get3A_212 = tpu.memref_squeeze %get3A_211 : memref<1x128xf32, #tpu.memory_space<vmem>> -> memref<128xf32, #tpu.memory_space<vmem>>
      %get3A_213 = arith.constant 48 : index
      %get3A_214 = tpu.vector_load %get3A_212[%get3A_213] {strides = array<i32>} : memref<128xf32, #tpu.memory_space<vmem>>, vector<16xf32>,
      tpu.vector_store_idx %arg15[%get3A_208], %get3A_214 {add = true} : memref<8192xf32, #tpu.memory_space<vmem>>[vector<16xi32>], vector<16xf32>,
      %get3A_215 = arith.constant 0 : i32
      %get3A_216 = arith.constant 0 : i32
      %get3A_217 = tpu.memref_slice %arg10[%get3A_215, %get3A_216] : memref<2x128xi32, #tpu.memory_space<vmem>> -> memref<1x128xi32, #tpu.memory_space<vmem>>
      %get3A_218 = tpu.memref_squeeze %get3A_217 : memref<1x128xi32, #tpu.memory_space<vmem>> -> memref<128xi32, #tpu.memory_space<vmem>>
      %get3A_219 = arith.constant 64 : index
      %get3A_220 = tpu.vector_load %get3A_218[%get3A_219] {strides = array<i32>} : memref<128xi32, #tpu.memory_space<vmem>>, vector<16xi32>,
      %get3A_221 = arith.constant 0 : i32
      %get3A_222 = arith.constant 0 : i32
      %get3A_223 = tpu.memref_slice %arg11[%get3A_221, %get3A_222] : memref<2x128xf32, #tpu.memory_space<vmem>> -> memref<1x128xf32, #tpu.memory_space<vmem>>
      %get3A_224 = tpu.memref_squeeze %get3A_223 : memref<1x128xf32, #tpu.memory_space<vmem>> -> memref<128xf32, #tpu.memory_space<vmem>>
      %get3A_225 = arith.constant 64 : index
      %get3A_226 = tpu.vector_load %get3A_224[%get3A_225] {strides = array<i32>} : memref<128xf32, #tpu.memory_space<vmem>>, vector<16xf32>,
      tpu.vector_store_idx %arg15[%get3A_220], %get3A_226 {add = true} : memref<8192xf32, #tpu.memory_space<vmem>>[vector<16xi32>], vector<16xf32>,
      %get3A_227 = arith.constant 0 : i32
      %get3A_228 = arith.constant 0 : i32
      %get3A_229 = tpu.memref_slice %arg10[%get3A_227, %get3A_228] : memref<2x128xi32, #tpu.memory_space<vmem>> -> memref<1x128xi32, #tpu.memory_space<vmem>>
      %get3A_230 = tpu.memref_squeeze %get3A_229 : memref<1x128xi32, #tpu.memory_space<vmem>> -> memref<128xi32, #tpu.memory_space<vmem>>
      %get3A_231 = arith.constant 80 : index
      %get3A_232 = tpu.vector_load %get3A_230[%get3A_231] {strides = array<i32>} : memref<128xi32, #tpu.memory_space<vmem>>, vector<16xi32>,
      %get3A_233 = arith.constant 0 : i32
      %get3A_234 = arith.constant 0 : i32
      %get3A_235 = tpu.memref_slice %arg11[%get3A_233, %get3A_234] : memref<2x128xf32, #tpu.memory_space<vmem>> -> memref<1x128xf32, #tpu.memory_space<vmem>>
      %get3A_236 = tpu.memref_squeeze %get3A_235 : memref<1x128xf32, #tpu.memory_space<vmem>> -> memref<128xf32, #tpu.memory_space<vmem>>
      %get3A_237 = arith.constant 80 : index
      %get3A_238 = tpu.vector_load %get3A_236[%get3A_237] {strides = array<i32>} : memref<128xf32, #tpu.memory_space<vmem>>, vector<16xf32>,
      tpu.vector_store_idx %arg15[%get3A_232], %get3A_238 {add = true} : memref<8192xf32, #tpu.memory_space<vmem>>[vector<16xi32>], vector<16xf32>,
      %get3A_239 = arith.constant 0 : i32
      %get3A_240 = arith.constant 0 : i32
      %get3A_241 = tpu.memref_slice %arg10[%get3A_239, %get3A_240] : memref<2x128xi32, #tpu.memory_space<vmem>> -> memref<1x128xi32, #tpu.memory_space<vmem>>
      %get3A_242 = tpu.memref_squeeze %get3A_241 : memref<1x128xi32, #tpu.memory_space<vmem>> -> memref<128xi32, #tpu.memory_space<vmem>>
      %get3A_243 = arith.constant 96 : index
      %get3A_244 = tpu.vector_load %get3A_242[%get3A_243] {strides = array<i32>} : memref<128xi32, #tpu.memory_space<vmem>>, vector<16xi32>,
      %get3A_245 = arith.constant 0 : i32
      %get3A_246 = arith.constant 0 : i32
      %get3A_247 = tpu.memref_slice %arg11[%get3A_245, %get3A_246] : memref<2x128xf32, #tpu.memory_space<vmem>> -> memref<1x128xf32, #tpu.memory_space<vmem>>
      %get3A_248 = tpu.memref_squeeze %get3A_247 : memref<1x128xf32, #tpu.memory_space<vmem>> -> memref<128xf32, #tpu.memory_space<vmem>>
      %get3A_249 = arith.constant 96 : index
      %get3A_250 = tpu.vector_load %get3A_248[%get3A_249] {strides = array<i32>} : memref<128xf32, #tpu.memory_space<vmem>>, vector<16xf32>,
      tpu.vector_store_idx %arg15[%get3A_244], %get3A_250 {add = true} : memref<8192xf32, #tpu.memory_space<vmem>>[vector<16xi32>], vector<16xf32>,
      %get3A_251 = arith.constant 0 : i32
      %get3A_252 = arith.constant 0 : i32
      %get3A_253 = tpu.memref_slice %arg10[%get3A_251, %get3A_252] : memref<2x128xi32, #tpu.memory_space<vmem>> -> memref<1x128xi32, #tpu.memory_space<vmem>>
      %get3A_254 = tpu.memref_squeeze %get3A_253 : memref<1x128xi32, #tpu.memory_space<vmem>> -> memref<128xi32, #tpu.memory_space<vmem>>
      %get3A_255 = arith.constant 112 : index
      %get3A_256 = tpu.vector_load %get3A_254[%get3A_255] {strides = array<i32>} : memref<128xi32, #tpu.memory_space<vmem>>, vector<16xi32>,
      %get3A_257 = arith.constant 0 : i32
      %get3A_258 = arith.constant 0 : i32
      %get3A_259 = tpu.memref_slice %arg11[%get3A_257, %get3A_258] : memref<2x128xf32, #tpu.memory_space<vmem>> -> memref<1x128xf32, #tpu.memory_space<vmem>>
      %get3A_260 = tpu.memref_squeeze %get3A_259 : memref<1x128xf32, #tpu.memory_space<vmem>> -> memref<128xf32, #tpu.memory_space<vmem>>
      %get3A_261 = arith.constant 112 : index
      %get3A_262 = tpu.vector_load %get3A_260[%get3A_261] {strides = array<i32>} : memref<128xf32, #tpu.memory_space<vmem>>, vector<16xf32>,
      tpu.vector_store_idx %arg15[%get3A_256], %get3A_262 {add = true} : memref<8192xf32, #tpu.memory_space<vmem>>[vector<16xi32>], vector<16xf32>,
      %run_scoped3A = arith.constant 0 : i32
      %run_scoped3A_263 = arith.constant 0 : i32
      "tpu.region"() ({
        %run_scoped3A_425 = tpu.sem_alloc : memref<!tpu.dma_semaphore, #tpu.memory_space<semaphore_mem>>
        %dma_start3A_426 = arith.constant 0 : i32
        %dma_start3A_427 = arith.constant 0 : i32
        %dma_start3A_428 = tpu.memref_slice %arg9[%run_scoped3A, %dma_start3A_426, %dma_start3A_427] : memref<2x128x128xf32, #tpu.memory_space<vmem>> -> memref<1x128x128xf32, #tpu.memory_space<vmem>>
        %dma_start3A_429 = tpu.memref_squeeze %dma_start3A_428 : memref<1x128x128xf32, #tpu.memory_space<vmem>> -> memref<128x128xf32, #tpu.memory_space<vmem>>
        %dma_start3A_430 = arith.constant 0 : i32
        %dma_start3A_431 = tpu.memref_slice %arg10[%run_scoped3A_263, %dma_start3A_430] : memref<2x128xi32, #tpu.memory_space<vmem>> -> memref<1x128xi32, #tpu.memory_space<vmem>>
        %dma_start3A_432 = tpu.memref_squeeze %dma_start3A_431 : memref<1x128xi32, #tpu.memory_space<vmem>> -> memref<128xi32, #tpu.memory_space<vmem>>
        %dma_start3A_433 = arith.constant 0 : i32
        %dma_start3A_434 = arith.constant 0 : i32
        %dma_start3A_435 = tpu.memref_slice %arg16[%dma_start3A_433, %dma_start3A_434] : memref<8192x128xf32, #tpu.memory_space<vmem_shared>> -> memref<8192x128xf32, #tpu.memory_space<vmem_shared>>
        tpu.enqueue_indirect_dma source(%dma_start3A_429 : memref<128x128xf32, #tpu.memory_space<vmem>>) target(%dma_start3A_435 : memref<8192x128xf32, #tpu.memory_space<vmem_shared>>) offsets(%dma_start3A_432 : memref<128xi32, #tpu.memory_space<vmem>>) semaphore(%run_scoped3A_425 : memref<!tpu.dma_semaphore, #tpu.memory_space<semaphore_mem>>) {add = true}
        %dma_wait3A_436 = arith.constant 0 : i32
        %dma_wait3A_437 = arith.constant 0 : i32
        %dma_wait3A_438 = tpu.memref_slice %arg9[%run_scoped3A, %dma_wait3A_436, %dma_wait3A_437] : memref<2x128x128xf32, #tpu.memory_space<vmem>> -> memref<1x128x128xf32, #tpu.memory_space<vmem>>
        %dma_wait3A_439 = tpu.memref_squeeze %dma_wait3A_438 : memref<1x128x128xf32, #tpu.memory_space<vmem>> -> memref<128x128xf32, #tpu.memory_space<vmem>>
        %dma_wait3A_440 = arith.constant 0 : i32
        %dma_wait3A_441 = tpu.memref_slice %arg10[%run_scoped3A_263, %dma_wait3A_440] : memref<2x128xi32, #tpu.memory_space<vmem>> -> memref<1x128xi32, #tpu.memory_space<vmem>>
        %dma_wait3A_442 = tpu.memref_squeeze %dma_wait3A_441 : memref<1x128xi32, #tpu.memory_space<vmem>> -> memref<128xi32, #tpu.memory_space<vmem>>
        %dma_wait3A_443 = arith.constant 0 : i32
        %dma_wait3A_444 = arith.constant 0 : i32
        %dma_wait3A_445 = tpu.memref_slice %arg16[%dma_wait3A_443, %dma_wait3A_444] : memref<8192x128xf32, #tpu.memory_space<vmem_shared>> -> memref<8192x128xf32, #tpu.memory_space<vmem_shared>>
        tpu.wait_indirect_dma semaphore(%run_scoped3A_425 : memref<!tpu.dma_semaphore, #tpu.memory_space<semaphore_mem>>) src(%dma_wait3A_439 : memref<128x128xf32, #tpu.memory_space<vmem>>) dst(%dma_wait3A_445 : memref<8192x128xf32, #tpu.memory_space<vmem_shared>>)
        tpu.yield
      }) : () -> ()
      %add3A_264 = arith.constant 2 : i32
      %add3A_265 = arith.addi %add3A_122, %add3A_264 : i32
      %lt3A = arith.constant 122 : i32
      %lt3A_266 = arith.cmpi slt, %add3A_265, %lt3A : i32
      %convert_element_type3A_267 = arith.extui %lt3A_266 : i1 to i32
      %cond3A_268 = arith.constant 0 : i32
      %cond3A_269 = arith.cmpi ne, %convert_element_type3A_267, %cond3A_268 : i32
      scf.if %cond3A_269 {
        %add3A_425 = arith.addi %add3A_4, %add3A_122 : i32
        %add3A_426 = arith.constant 2 : i32
        %add3A_427 = arith.addi %add3A_425, %add3A_426 : i32
        %mul3A_428 = arith.constant 128 : i32
        %mul3A_429 = arith.muli %add3A_427, %mul3A_428 : i32
        %dma_start3A_430 = arith.constant 0 : i32
        %dma_start3A_431 = arith.constant 0 : i32
        %dma_start3A_432 = arith.constant 0 : i32
        %dma_start3A_433 = arith.constant 0 : i32
        %dma_start3A_434 = tpu.memref_slice %arg9[%dma_start3A_430, %dma_start3A_432, %dma_start3A_433] : memref<2x128x128xf32, #tpu.memory_space<vmem>> -> memref<1x128x128xf32, #tpu.memory_space<vmem>>
        %dma_start3A_435 = tpu.memref_squeeze %dma_start3A_434 : memref<1x128x128xf32, #tpu.memory_space<vmem>> -> memref<128x128xf32, #tpu.memory_space<vmem>>
        %dma_start3A_436 = arith.constant 0 : i32
        %dma_start3A_437 = tpu.memref_slice %arg2[%mul3A_429, %dma_start3A_436] : memref<500000x128xf32, #tpu.memory_space<hbm>> -> memref<128x128xf32, #tpu.memory_space<hbm>>
        %dma_start3A_438 = tpu.memref_slice %arg17[%dma_start3A_431] : memref<2x!tpu.dma_semaphore, #tpu.memory_space<semaphore_mem>> -> memref<1x!tpu.dma_semaphore, #tpu.memory_space<semaphore_mem>>
        %dma_start3A_439 = tpu.memref_squeeze %dma_start3A_438 : memref<1x!tpu.dma_semaphore, #tpu.memory_space<semaphore_mem>> -> memref<!tpu.dma_semaphore, #tpu.memory_space<semaphore_mem>>
        %dma_start3A_440 = arith.constant 0 : i32
        %dma_start3A_441 = arith.constant 0 : i32
        %dma_start3A_442 = tpu.memref_slice %arg9[%dma_start3A_430, %dma_start3A_440, %dma_start3A_441] : memref<2x128x128xf32, #tpu.memory_space<vmem>> -> memref<1x128x128xf32, #tpu.memory_space<vmem>>
        %dma_start3A_443 = tpu.memref_squeeze %dma_start3A_442 : memref<1x128x128xf32, #tpu.memory_space<vmem>> -> memref<128x128xf32, #tpu.memory_space<vmem>>
        %dma_start3A_444 = arith.constant 0 : i32
        %dma_start3A_445 = tpu.memref_slice %arg2[%mul3A_429, %dma_start3A_444] : memref<500000x128xf32, #tpu.memory_space<hbm>> -> memref<128x128xf32, #tpu.memory_space<hbm>>
        tpu.enqueue_dma source(%dma_start3A_445 : memref<128x128xf32, #tpu.memory_space<hbm>>) target(%dma_start3A_443 : memref<128x128xf32, #tpu.memory_space<vmem>>) target_semaphore(%dma_start3A_439 : memref<!tpu.dma_semaphore, #tpu.memory_space<semaphore_mem>>)
        %dma_start3A_446 = arith.constant 0 : i32
        %dma_start3A_447 = arith.constant 0 : i32
        %dma_start3A_448 = arith.constant 0 : i32
        %dma_start3A_449 = tpu.memref_slice %arg10[%dma_start3A_446, %dma_start3A_448] : memref<2x128xi32, #tpu.memory_space<vmem>> -> memref<1x128xi32, #tpu.memory_space<vmem>>
        %dma_start3A_450 = tpu.memref_squeeze %dma_start3A_449 : memref<1x128xi32, #tpu.memory_space<vmem>> -> memref<128xi32, #tpu.memory_space<vmem>>
        %dma_start3A_451 = tpu.memref_slice %arg3[%mul3A_429] : memref<500000xi32, #tpu.memory_space<hbm>> -> memref<128xi32, #tpu.memory_space<hbm>>
        %dma_start3A_452 = tpu.memref_slice %arg18[%dma_start3A_447] : memref<2x!tpu.dma_semaphore, #tpu.memory_space<semaphore_mem>> -> memref<1x!tpu.dma_semaphore, #tpu.memory_space<semaphore_mem>>
        %dma_start3A_453 = tpu.memref_squeeze %dma_start3A_452 : memref<1x!tpu.dma_semaphore, #tpu.memory_space<semaphore_mem>> -> memref<!tpu.dma_semaphore, #tpu.memory_space<semaphore_mem>>
        %dma_start3A_454 = arith.constant 0 : i32
        %dma_start3A_455 = tpu.memref_slice %arg10[%dma_start3A_446, %dma_start3A_454] : memref<2x128xi32, #tpu.memory_space<vmem>> -> memref<1x128xi32, #tpu.memory_space<vmem>>
        %dma_start3A_456 = tpu.memref_squeeze %dma_start3A_455 : memref<1x128xi32, #tpu.memory_space<vmem>> -> memref<128xi32, #tpu.memory_space<vmem>>
        %dma_start3A_457 = tpu.memref_slice %arg3[%mul3A_429] : memref<500000xi32, #tpu.memory_space<hbm>> -> memref<128xi32, #tpu.memory_space<hbm>>
        tpu.enqueue_dma source(%dma_start3A_457 : memref<128xi32, #tpu.memory_space<hbm>>) target(%dma_start3A_456 : memref<128xi32, #tpu.memory_space<vmem>>) target_semaphore(%dma_start3A_453 : memref<!tpu.dma_semaphore, #tpu.memory_space<semaphore_mem>>)
        %sub3A_458 = arith.constant 0 : i32
        %sub3A_459 = arith.subi %mul3A_429, %sub3A_458 : i32
        %dma_start3A_460 = arith.constant 0 : i32
        %dma_start3A_461 = arith.constant 0 : i32
        %dma_start3A_462 = arith.constant 0 : i32
        %dma_start3A_463 = tpu.memref_slice %arg11[%dma_start3A_460, %dma_start3A_462] : memref<2x128xf32, #tpu.memory_space<vmem>> -> memref<1x128xf32, #tpu.memory_space<vmem>>
        %dma_start3A_464 = tpu.memref_squeeze %dma_start3A_463 : memref<1x128xf32, #tpu.memory_space<vmem>> -> memref<128xf32, #tpu.memory_space<vmem>>
        %dma_start3A_465 = tpu.memref_slice %arg4[%sub3A_459] : memref<500000xf32, #tpu.memory_space<hbm>> -> memref<128xf32, #tpu.memory_space<hbm>>
        %dma_start3A_466 = tpu.memref_slice %arg19[%dma_start3A_461] : memref<2x!tpu.dma_semaphore, #tpu.memory_space<semaphore_mem>> -> memref<1x!tpu.dma_semaphore, #tpu.memory_space<semaphore_mem>>
        %dma_start3A_467 = tpu.memref_squeeze %dma_start3A_466 : memref<1x!tpu.dma_semaphore, #tpu.memory_space<semaphore_mem>> -> memref<!tpu.dma_semaphore, #tpu.memory_space<semaphore_mem>>
        %dma_start3A_468 = arith.constant 0 : i32
        %dma_start3A_469 = tpu.memref_slice %arg11[%dma_start3A_460, %dma_start3A_468] : memref<2x128xf32, #tpu.memory_space<vmem>> -> memref<1x128xf32, #tpu.memory_space<vmem>>
        %dma_start3A_470 = tpu.memref_squeeze %dma_start3A_469 : memref<1x128xf32, #tpu.memory_space<vmem>> -> memref<128xf32, #tpu.memory_space<vmem>>
        %dma_start3A_471 = tpu.memref_slice %arg4[%sub3A_459] : memref<500000xf32, #tpu.memory_space<hbm>> -> memref<128xf32, #tpu.memory_space<hbm>>
        tpu.enqueue_dma source(%dma_start3A_471 : memref<128xf32, #tpu.memory_space<hbm>>) target(%dma_start3A_470 : memref<128xf32, #tpu.memory_space<vmem>>) target_semaphore(%dma_start3A_467 : memref<!tpu.dma_semaphore, #tpu.memory_space<semaphore_mem>>)
      } else {
      }
      %mul3A_270 = arith.constant 2 : i32
      %mul3A_271 = arith.muli %mul3A_270, %scan3A_118 : i32
      %add3A_272 = arith.constant 1 : i32
      %add3A_273 = arith.addi %mul3A_271, %add3A_272 : i32
      %dma_wait3A_274 = arith.constant 1 : i32
      %dma_wait3A_275 = arith.constant 1 : i32
      %dma_wait3A_276 = arith.constant 0 : i32
      %dma_wait3A_277 = arith.constant 0 : i32
      %dma_wait3A_278 = tpu.memref_slice %arg9[%dma_wait3A_274, %dma_wait3A_276, %dma_wait3A_277] : memref<2x128x128xf32, #tpu.memory_space<vmem>> -> memref<1x128x128xf32, #tpu.memory_space<vmem>>
      %dma_wait3A_279 = tpu.memref_squeeze %dma_wait3A_278 : memref<1x128x128xf32, #tpu.memory_space<vmem>> -> memref<128x128xf32, #tpu.memory_space<vmem>>
      %dma_wait3A_280 = arith.constant 0 : i32
      %dma_wait3A_281 = arith.constant 0 : i32
      %dma_wait3A_282 = tpu.memref_slice %arg2[%dma_wait3A_280, %dma_wait3A_281] : memref<500000x128xf32, #tpu.memory_space<hbm>> -> memref<128x128xf32, #tpu.memory_space<hbm>>
      %dma_wait3A_283 = tpu.memref_slice %arg17[%dma_wait3A_275] : memref<2x!tpu.dma_semaphore, #tpu.memory_space<semaphore_mem>> -> memref<1x!tpu.dma_semaphore, #tpu.memory_space<semaphore_mem>>
      %dma_wait3A_284 = tpu.memref_squeeze %dma_wait3A_283 : memref<1x!tpu.dma_semaphore, #tpu.memory_space<semaphore_mem>> -> memref<!tpu.dma_semaphore, #tpu.memory_space<semaphore_mem>>
      %dma_wait3A_285 = arith.constant 0 : i32
      %dma_wait3A_286 = arith.constant 0 : i32
      %dma_wait3A_287 = tpu.memref_slice %arg9[%dma_wait3A_274, %dma_wait3A_285, %dma_wait3A_286] : memref<2x128x128xf32, #tpu.memory_space<vmem>> -> memref<1x128x128xf32, #tpu.memory_space<vmem>>
      %dma_wait3A_288 = tpu.memref_squeeze %dma_wait3A_287 : memref<1x128x128xf32, #tpu.memory_space<vmem>> -> memref<128x128xf32, #tpu.memory_space<vmem>>
      %dma_wait3A_289 = arith.constant 0 : i32
      %dma_wait3A_290 = arith.constant 0 : i32
      %dma_wait3A_291 = tpu.memref_slice %arg2[%dma_wait3A_289, %dma_wait3A_290] : memref<500000x128xf32, #tpu.memory_space<hbm>> -> memref<128x128xf32, #tpu.memory_space<hbm>>
      tpu.wait_dma2 semaphore(%dma_wait3A_284 : memref<!tpu.dma_semaphore, #tpu.memory_space<semaphore_mem>>) src(%dma_wait3A_291 : memref<128x128xf32, #tpu.memory_space<hbm>>) dst(%dma_wait3A_288 : memref<128x128xf32, #tpu.memory_space<vmem>>)
      %dma_wait3A_292 = arith.constant 1 : i32
      %dma_wait3A_293 = arith.constant 1 : i32
      %dma_wait3A_294 = arith.constant 0 : i32
      %dma_wait3A_295 = tpu.memref_slice %arg10[%dma_wait3A_292, %dma_wait3A_294] : memref<2x128xi32, #tpu.memory_space<vmem>> -> memref<1x128xi32, #tpu.memory_space<vmem>>
      %dma_wait3A_296 = tpu.memref_squeeze %dma_wait3A_295 : memref<1x128xi32, #tpu.memory_space<vmem>> -> memref<128xi32, #tpu.memory_space<vmem>>
      %dma_wait3A_297 = arith.constant 0 : i32
      %dma_wait3A_298 = tpu.memref_slice %arg3[%dma_wait3A_297] : memref<500000xi32, #tpu.memory_space<hbm>> -> memref<128xi32, #tpu.memory_space<hbm>>
      %dma_wait3A_299 = tpu.memref_slice %arg18[%dma_wait3A_293] : memref<2x!tpu.dma_semaphore, #tpu.memory_space<semaphore_mem>> -> memref<1x!tpu.dma_semaphore, #tpu.memory_space<semaphore_mem>>
      %dma_wait3A_300 = tpu.memref_squeeze %dma_wait3A_299 : memref<1x!tpu.dma_semaphore, #tpu.memory_space<semaphore_mem>> -> memref<!tpu.dma_semaphore, #tpu.memory_space<semaphore_mem>>
      %dma_wait3A_301 = arith.constant 0 : i32
      %dma_wait3A_302 = tpu.memref_slice %arg10[%dma_wait3A_292, %dma_wait3A_301] : memref<2x128xi32, #tpu.memory_space<vmem>> -> memref<1x128xi32, #tpu.memory_space<vmem>>
      %dma_wait3A_303 = tpu.memref_squeeze %dma_wait3A_302 : memref<1x128xi32, #tpu.memory_space<vmem>> -> memref<128xi32, #tpu.memory_space<vmem>>
      %dma_wait3A_304 = arith.constant 0 : i32
      %dma_wait3A_305 = tpu.memref_slice %arg3[%dma_wait3A_304] : memref<500000xi32, #tpu.memory_space<hbm>> -> memref<128xi32, #tpu.memory_space<hbm>>
      tpu.wait_dma2 semaphore(%dma_wait3A_300 : memref<!tpu.dma_semaphore, #tpu.memory_space<semaphore_mem>>) src(%dma_wait3A_305 : memref<128xi32, #tpu.memory_space<hbm>>) dst(%dma_wait3A_303 : memref<128xi32, #tpu.memory_space<vmem>>)
      %dma_wait3A_306 = arith.constant 1 : i32
      %dma_wait3A_307 = arith.constant 1 : i32
      %dma_wait3A_308 = arith.constant 0 : i32
      %dma_wait3A_309 = tpu.memref_slice %arg11[%dma_wait3A_306, %dma_wait3A_308] : memref<2x128xf32, #tpu.memory_space<vmem>> -> memref<1x128xf32, #tpu.memory_space<vmem>>
      %dma_wait3A_310 = tpu.memref_squeeze %dma_wait3A_309 : memref<1x128xf32, #tpu.memory_space<vmem>> -> memref<128xf32, #tpu.memory_space<vmem>>
      %dma_wait3A_311 = arith.constant 0 : i32
      %dma_wait3A_312 = tpu.memref_slice %arg4[%dma_wait3A_311] : memref<500000xf32, #tpu.memory_space<hbm>> -> memref<128xf32, #tpu.memory_space<hbm>>
      %dma_wait3A_313 = tpu.memref_slice %arg19[%dma_wait3A_307] : memref<2x!tpu.dma_semaphore, #tpu.memory_space<semaphore_mem>> -> memref<1x!tpu.dma_semaphore, #tpu.memory_space<semaphore_mem>>
      %dma_wait3A_314 = tpu.memref_squeeze %dma_wait3A_313 : memref<1x!tpu.dma_semaphore, #tpu.memory_space<semaphore_mem>> -> memref<!tpu.dma_semaphore, #tpu.memory_space<semaphore_mem>>
      %dma_wait3A_315 = arith.constant 0 : i32
      %dma_wait3A_316 = tpu.memref_slice %arg11[%dma_wait3A_306, %dma_wait3A_315] : memref<2x128xf32, #tpu.memory_space<vmem>> -> memref<1x128xf32, #tpu.memory_space<vmem>>
      %dma_wait3A_317 = tpu.memref_squeeze %dma_wait3A_316 : memref<1x128xf32, #tpu.memory_space<vmem>> -> memref<128xf32, #tpu.memory_space<vmem>>
      %dma_wait3A_318 = arith.constant 0 : i32
      %dma_wait3A_319 = tpu.memref_slice %arg4[%dma_wait3A_318] : memref<500000xf32, #tpu.memory_space<hbm>> -> memref<128xf32, #tpu.memory_space<hbm>>
      tpu.wait_dma2 semaphore(%dma_wait3A_314 : memref<!tpu.dma_semaphore, #tpu.memory_space<semaphore_mem>>) src(%dma_wait3A_319 : memref<128xf32, #tpu.memory_space<hbm>>) dst(%dma_wait3A_317 : memref<128xf32, #tpu.memory_space<vmem>>)
      %get3A_320 = arith.constant 1 : i32
      %get3A_321 = arith.constant 0 : i32
      %get3A_322 = tpu.memref_slice %arg10[%get3A_320, %get3A_321] : memref<2x128xi32, #tpu.memory_space<vmem>> -> memref<1x128xi32, #tpu.memory_space<vmem>>
      %get3A_323 = tpu.memref_squeeze %get3A_322 : memref<1x128xi32, #tpu.memory_space<vmem>> -> memref<128xi32, #tpu.memory_space<vmem>>
      %get3A_324 = arith.constant 0 : index
      %get3A_325 = tpu.vector_load %get3A_323[%get3A_324] {strides = array<i32>} : memref<128xi32, #tpu.memory_space<vmem>>, vector<16xi32>,
      %get3A_326 = arith.constant 1 : i32
      %get3A_327 = arith.constant 0 : i32
      %get3A_328 = tpu.memref_slice %arg11[%get3A_326, %get3A_327] : memref<2x128xf32, #tpu.memory_space<vmem>> -> memref<1x128xf32, #tpu.memory_space<vmem>>
      %get3A_329 = tpu.memref_squeeze %get3A_328 : memref<1x128xf32, #tpu.memory_space<vmem>> -> memref<128xf32, #tpu.memory_space<vmem>>
      %get3A_330 = arith.constant 0 : index
      %get3A_331 = tpu.vector_load %get3A_329[%get3A_330] {strides = array<i32>} : memref<128xf32, #tpu.memory_space<vmem>>, vector<16xf32>,
      tpu.vector_store_idx %arg15[%get3A_325], %get3A_331 {add = true} : memref<8192xf32, #tpu.memory_space<vmem>>[vector<16xi32>], vector<16xf32>,
      %get3A_332 = arith.constant 1 : i32
      %get3A_333 = arith.constant 0 : i32
      %get3A_334 = tpu.memref_slice %arg10[%get3A_332, %get3A_333] : memref<2x128xi32, #tpu.memory_space<vmem>> -> memref<1x128xi32, #tpu.memory_space<vmem>>
      %get3A_335 = tpu.memref_squeeze %get3A_334 : memref<1x128xi32, #tpu.memory_space<vmem>> -> memref<128xi32, #tpu.memory_space<vmem>>
      %get3A_336 = arith.constant 16 : index
      %get3A_337 = tpu.vector_load %get3A_335[%get3A_336] {strides = array<i32>} : memref<128xi32, #tpu.memory_space<vmem>>, vector<16xi32>,
      %get3A_338 = arith.constant 1 : i32
      %get3A_339 = arith.constant 0 : i32
      %get3A_340 = tpu.memref_slice %arg11[%get3A_338, %get3A_339] : memref<2x128xf32, #tpu.memory_space<vmem>> -> memref<1x128xf32, #tpu.memory_space<vmem>>
      %get3A_341 = tpu.memref_squeeze %get3A_340 : memref<1x128xf32, #tpu.memory_space<vmem>> -> memref<128xf32, #tpu.memory_space<vmem>>
      %get3A_342 = arith.constant 16 : index
      %get3A_343 = tpu.vector_load %get3A_341[%get3A_342] {strides = array<i32>} : memref<128xf32, #tpu.memory_space<vmem>>, vector<16xf32>,
      tpu.vector_store_idx %arg15[%get3A_337], %get3A_343 {add = true} : memref<8192xf32, #tpu.memory_space<vmem>>[vector<16xi32>], vector<16xf32>,
      %get3A_344 = arith.constant 1 : i32
      %get3A_345 = arith.constant 0 : i32
      %get3A_346 = tpu.memref_slice %arg10[%get3A_344, %get3A_345] : memref<2x128xi32, #tpu.memory_space<vmem>> -> memref<1x128xi32, #tpu.memory_space<vmem>>
      %get3A_347 = tpu.memref_squeeze %get3A_346 : memref<1x128xi32, #tpu.memory_space<vmem>> -> memref<128xi32, #tpu.memory_space<vmem>>
      %get3A_348 = arith.constant 32 : index
      %get3A_349 = tpu.vector_load %get3A_347[%get3A_348] {strides = array<i32>} : memref<128xi32, #tpu.memory_space<vmem>>, vector<16xi32>,
      %get3A_350 = arith.constant 1 : i32
      %get3A_351 = arith.constant 0 : i32
      %get3A_352 = tpu.memref_slice %arg11[%get3A_350, %get3A_351] : memref<2x128xf32, #tpu.memory_space<vmem>> -> memref<1x128xf32, #tpu.memory_space<vmem>>
      %get3A_353 = tpu.memref_squeeze %get3A_352 : memref<1x128xf32, #tpu.memory_space<vmem>> -> memref<128xf32, #tpu.memory_space<vmem>>
      %get3A_354 = arith.constant 32 : index
      %get3A_355 = tpu.vector_load %get3A_353[%get3A_354] {strides = array<i32>} : memref<128xf32, #tpu.memory_space<vmem>>, vector<16xf32>,
      tpu.vector_store_idx %arg15[%get3A_349], %get3A_355 {add = true} : memref<8192xf32, #tpu.memory_space<vmem>>[vector<16xi32>], vector<16xf32>,
      %get3A_356 = arith.constant 1 : i32
      %get3A_357 = arith.constant 0 : i32
      %get3A_358 = tpu.memref_slice %arg10[%get3A_356, %get3A_357] : memref<2x128xi32, #tpu.memory_space<vmem>> -> memref<1x128xi32, #tpu.memory_space<vmem>>
      %get3A_359 = tpu.memref_squeeze %get3A_358 : memref<1x128xi32, #tpu.memory_space<vmem>> -> memref<128xi32, #tpu.memory_space<vmem>>
      %get3A_360 = arith.constant 48 : index
      %get3A_361 = tpu.vector_load %get3A_359[%get3A_360] {strides = array<i32>} : memref<128xi32, #tpu.memory_space<vmem>>, vector<16xi32>,
      %get3A_362 = arith.constant 1 : i32
      %get3A_363 = arith.constant 0 : i32
      %get3A_364 = tpu.memref_slice %arg11[%get3A_362, %get3A_363] : memref<2x128xf32, #tpu.memory_space<vmem>> -> memref<1x128xf32, #tpu.memory_space<vmem>>
      %get3A_365 = tpu.memref_squeeze %get3A_364 : memref<1x128xf32, #tpu.memory_space<vmem>> -> memref<128xf32, #tpu.memory_space<vmem>>
      %get3A_366 = arith.constant 48 : index
      %get3A_367 = tpu.vector_load %get3A_365[%get3A_366] {strides = array<i32>} : memref<128xf32, #tpu.memory_space<vmem>>, vector<16xf32>,
      tpu.vector_store_idx %arg15[%get3A_361], %get3A_367 {add = true} : memref<8192xf32, #tpu.memory_space<vmem>>[vector<16xi32>], vector<16xf32>,
      %get3A_368 = arith.constant 1 : i32
      %get3A_369 = arith.constant 0 : i32
      %get3A_370 = tpu.memref_slice %arg10[%get3A_368, %get3A_369] : memref<2x128xi32, #tpu.memory_space<vmem>> -> memref<1x128xi32, #tpu.memory_space<vmem>>
      %get3A_371 = tpu.memref_squeeze %get3A_370 : memref<1x128xi32, #tpu.memory_space<vmem>> -> memref<128xi32, #tpu.memory_space<vmem>>
      %get3A_372 = arith.constant 64 : index
      %get3A_373 = tpu.vector_load %get3A_371[%get3A_372] {strides = array<i32>} : memref<128xi32, #tpu.memory_space<vmem>>, vector<16xi32>,
      %get3A_374 = arith.constant 1 : i32
      %get3A_375 = arith.constant 0 : i32
      %get3A_376 = tpu.memref_slice %arg11[%get3A_374, %get3A_375] : memref<2x128xf32, #tpu.memory_space<vmem>> -> memref<1x128xf32, #tpu.memory_space<vmem>>
      %get3A_377 = tpu.memref_squeeze %get3A_376 : memref<1x128xf32, #tpu.memory_space<vmem>> -> memref<128xf32, #tpu.memory_space<vmem>>
      %get3A_378 = arith.constant 64 : index
      %get3A_379 = tpu.vector_load %get3A_377[%get3A_378] {strides = array<i32>} : memref<128xf32, #tpu.memory_space<vmem>>, vector<16xf32>,
      tpu.vector_store_idx %arg15[%get3A_373], %get3A_379 {add = true} : memref<8192xf32, #tpu.memory_space<vmem>>[vector<16xi32>], vector<16xf32>,
      %get3A_380 = arith.constant 1 : i32
      %get3A_381 = arith.constant 0 : i32
      %get3A_382 = tpu.memref_slice %arg10[%get3A_380, %get3A_381] : memref<2x128xi32, #tpu.memory_space<vmem>> -> memref<1x128xi32, #tpu.memory_space<vmem>>
      %get3A_383 = tpu.memref_squeeze %get3A_382 : memref<1x128xi32, #tpu.memory_space<vmem>> -> memref<128xi32, #tpu.memory_space<vmem>>
      %get3A_384 = arith.constant 80 : index
      %get3A_385 = tpu.vector_load %get3A_383[%get3A_384] {strides = array<i32>} : memref<128xi32, #tpu.memory_space<vmem>>, vector<16xi32>,
      %get3A_386 = arith.constant 1 : i32
      %get3A_387 = arith.constant 0 : i32
      %get3A_388 = tpu.memref_slice %arg11[%get3A_386, %get3A_387] : memref<2x128xf32, #tpu.memory_space<vmem>> -> memref<1x128xf32, #tpu.memory_space<vmem>>
      %get3A_389 = tpu.memref_squeeze %get3A_388 : memref<1x128xf32, #tpu.memory_space<vmem>> -> memref<128xf32, #tpu.memory_space<vmem>>
      %get3A_390 = arith.constant 80 : index
      %get3A_391 = tpu.vector_load %get3A_389[%get3A_390] {strides = array<i32>} : memref<128xf32, #tpu.memory_space<vmem>>, vector<16xf32>,
      tpu.vector_store_idx %arg15[%get3A_385], %get3A_391 {add = true} : memref<8192xf32, #tpu.memory_space<vmem>>[vector<16xi32>], vector<16xf32>,
      %get3A_392 = arith.constant 1 : i32
      %get3A_393 = arith.constant 0 : i32
      %get3A_394 = tpu.memref_slice %arg10[%get3A_392, %get3A_393] : memref<2x128xi32, #tpu.memory_space<vmem>> -> memref<1x128xi32, #tpu.memory_space<vmem>>
      %get3A_395 = tpu.memref_squeeze %get3A_394 : memref<1x128xi32, #tpu.memory_space<vmem>> -> memref<128xi32, #tpu.memory_space<vmem>>
      %get3A_396 = arith.constant 96 : index
      %get3A_397 = tpu.vector_load %get3A_395[%get3A_396] {strides = array<i32>} : memref<128xi32, #tpu.memory_space<vmem>>, vector<16xi32>,
      %get3A_398 = arith.constant 1 : i32
      %get3A_399 = arith.constant 0 : i32
      %get3A_400 = tpu.memref_slice %arg11[%get3A_398, %get3A_399] : memref<2x128xf32, #tpu.memory_space<vmem>> -> memref<1x128xf32, #tpu.memory_space<vmem>>
      %get3A_401 = tpu.memref_squeeze %get3A_400 : memref<1x128xf32, #tpu.memory_space<vmem>> -> memref<128xf32, #tpu.memory_space<vmem>>
      %get3A_402 = arith.constant 96 : index
      %get3A_403 = tpu.vector_load %get3A_401[%get3A_402] {strides = array<i32>} : memref<128xf32, #tpu.memory_space<vmem>>, vector<16xf32>,
      tpu.vector_store_idx %arg15[%get3A_397], %get3A_403 {add = true} : memref<8192xf32, #tpu.memory_space<vmem>>[vector<16xi32>], vector<16xf32>,
      %get3A_404 = arith.constant 1 : i32
      %get3A_405 = arith.constant 0 : i32
      %get3A_406 = tpu.memref_slice %arg10[%get3A_404, %get3A_405] : memref<2x128xi32, #tpu.memory_space<vmem>> -> memref<1x128xi32, #tpu.memory_space<vmem>>
      %get3A_407 = tpu.memref_squeeze %get3A_406 : memref<1x128xi32, #tpu.memory_space<vmem>> -> memref<128xi32, #tpu.memory_space<vmem>>
      %get3A_408 = arith.constant 112 : index
      %get3A_409 = tpu.vector_load %get3A_407[%get3A_408] {strides = array<i32>} : memref<128xi32, #tpu.memory_space<vmem>>, vector<16xi32>,
      %get3A_410 = arith.constant 1 : i32
      %get3A_411 = arith.constant 0 : i32
      %get3A_412 = tpu.memref_slice %arg11[%get3A_410, %get3A_411] : memref<2x128xf32, #tpu.memory_space<vmem>> -> memref<1x128xf32, #tpu.memory_space<vmem>>
      %get3A_413 = tpu.memref_squeeze %get3A_412 : memref<1x128xf32, #tpu.memory_space<vmem>> -> memref<128xf32, #tpu.memory_space<vmem>>
      %get3A_414 = arith.constant 112 : index
      %get3A_415 = tpu.vector_load %get3A_413[%get3A_414] {strides = array<i32>} : memref<128xf32, #tpu.memory_space<vmem>>, vector<16xf32>,
      tpu.vector_store_idx %arg15[%get3A_409], %get3A_415 {add = true} : memref<8192xf32, #tpu.memory_space<vmem>>[vector<16xi32>], vector<16xf32>,
      %run_scoped3A_416 = arith.constant 1 : i32
      %run_scoped3A_417 = arith.constant 1 : i32
      "tpu.region"() ({
        %run_scoped3A_425 = tpu.sem_alloc : memref<!tpu.dma_semaphore, #tpu.memory_space<semaphore_mem>>
        %dma_start3A_426 = arith.constant 0 : i32
        %dma_start3A_427 = arith.constant 0 : i32
        %dma_start3A_428 = tpu.memref_slice %arg9[%run_scoped3A_416, %dma_start3A_426, %dma_start3A_427] : memref<2x128x128xf32, #tpu.memory_space<vmem>> -> memref<1x128x128xf32, #tpu.memory_space<vmem>>
        %dma_start3A_429 = tpu.memref_squeeze %dma_start3A_428 : memref<1x128x128xf32, #tpu.memory_space<vmem>> -> memref<128x128xf32, #tpu.memory_space<vmem>>
        %dma_start3A_430 = arith.constant 0 : i32
        %dma_start3A_431 = tpu.memref_slice %arg10[%run_scoped3A_417, %dma_start3A_430] : memref<2x128xi32, #tpu.memory_space<vmem>> -> memref<1x128xi32, #tpu.memory_space<vmem>>
        %dma_start3A_432 = tpu.memref_squeeze %dma_start3A_431 : memref<1x128xi32, #tpu.memory_space<vmem>> -> memref<128xi32, #tpu.memory_space<vmem>>
        %dma_start3A_433 = arith.constant 0 : i32
        %dma_start3A_434 = arith.constant 0 : i32
        %dma_start3A_435 = tpu.memref_slice %arg16[%dma_start3A_433, %dma_start3A_434] : memref<8192x128xf32, #tpu.memory_space<vmem_shared>> -> memref<8192x128xf32, #tpu.memory_space<vmem_shared>>
        tpu.enqueue_indirect_dma source(%dma_start3A_429 : memref<128x128xf32, #tpu.memory_space<vmem>>) target(%dma_start3A_435 : memref<8192x128xf32, #tpu.memory_space<vmem_shared>>) offsets(%dma_start3A_432 : memref<128xi32, #tpu.memory_space<vmem>>) semaphore(%run_scoped3A_425 : memref<!tpu.dma_semaphore, #tpu.memory_space<semaphore_mem>>) {add = true}
        %dma_wait3A_436 = arith.constant 0 : i32
        %dma_wait3A_437 = arith.constant 0 : i32
        %dma_wait3A_438 = tpu.memref_slice %arg9[%run_scoped3A_416, %dma_wait3A_436, %dma_wait3A_437] : memref<2x128x128xf32, #tpu.memory_space<vmem>> -> memref<1x128x128xf32, #tpu.memory_space<vmem>>
        %dma_wait3A_439 = tpu.memref_squeeze %dma_wait3A_438 : memref<1x128x128xf32, #tpu.memory_space<vmem>> -> memref<128x128xf32, #tpu.memory_space<vmem>>
        %dma_wait3A_440 = arith.constant 0 : i32
        %dma_wait3A_441 = tpu.memref_slice %arg10[%run_scoped3A_417, %dma_wait3A_440] : memref<2x128xi32, #tpu.memory_space<vmem>> -> memref<1x128xi32, #tpu.memory_space<vmem>>
        %dma_wait3A_442 = tpu.memref_squeeze %dma_wait3A_441 : memref<1x128xi32, #tpu.memory_space<vmem>> -> memref<128xi32, #tpu.memory_space<vmem>>
        %dma_wait3A_443 = arith.constant 0 : i32
        %dma_wait3A_444 = arith.constant 0 : i32
        %dma_wait3A_445 = tpu.memref_slice %arg16[%dma_wait3A_443, %dma_wait3A_444] : memref<8192x128xf32, #tpu.memory_space<vmem_shared>> -> memref<8192x128xf32, #tpu.memory_space<vmem_shared>>
        tpu.wait_indirect_dma semaphore(%run_scoped3A_425 : memref<!tpu.dma_semaphore, #tpu.memory_space<semaphore_mem>>) src(%dma_wait3A_439 : memref<128x128xf32, #tpu.memory_space<vmem>>) dst(%dma_wait3A_445 : memref<8192x128xf32, #tpu.memory_space<vmem_shared>>)
        tpu.yield
      }) : () -> ()
      %add3A_418 = arith.constant 2 : i32
      %add3A_419 = arith.addi %add3A_273, %add3A_418 : i32
      %lt3A_420 = arith.constant 122 : i32
      %lt3A_421 = arith.cmpi slt, %add3A_419, %lt3A_420 : i32
      %convert_element_type3A_422 = arith.extui %lt3A_421 : i1 to i32
      %cond3A_423 = arith.constant 0 : i32
      %cond3A_424 = arith.cmpi ne, %convert_element_type3A_422, %cond3A_423 : i32
      scf.if %cond3A_424 {
        %add3A_425 = arith.addi %add3A_4, %add3A_273 : i32
        %add3A_426 = arith.constant 2 : i32
        %add3A_427 = arith.addi %add3A_425, %add3A_426 : i32
        %mul3A_428 = arith.constant 128 : i32
        %mul3A_429 = arith.muli %add3A_427, %mul3A_428 : i32
        %dma_start3A_430 = arith.constant 1 : i32
        %dma_start3A_431 = arith.constant 1 : i32
        %dma_start3A_432 = arith.constant 0 : i32
        %dma_start3A_433 = arith.constant 0 : i32
        %dma_start3A_434 = tpu.memref_slice %arg9[%dma_start3A_430, %dma_start3A_432, %dma_start3A_433] : memref<2x128x128xf32, #tpu.memory_space<vmem>> -> memref<1x128x128xf32, #tpu.memory_space<vmem>>
        %dma_start3A_435 = tpu.memref_squeeze %dma_start3A_434 : memref<1x128x128xf32, #tpu.memory_space<vmem>> -> memref<128x128xf32, #tpu.memory_space<vmem>>
        %dma_start3A_436 = arith.constant 0 : i32
        %dma_start3A_437 = tpu.memref_slice %arg2[%mul3A_429, %dma_start3A_436] : memref<500000x128xf32, #tpu.memory_space<hbm>> -> memref<128x128xf32, #tpu.memory_space<hbm>>
        %dma_start3A_438 = tpu.memref_slice %arg17[%dma_start3A_431] : memref<2x!tpu.dma_semaphore, #tpu.memory_space<semaphore_mem>> -> memref<1x!tpu.dma_semaphore, #tpu.memory_space<semaphore_mem>>
        %dma_start3A_439 = tpu.memref_squeeze %dma_start3A_438 : memref<1x!tpu.dma_semaphore, #tpu.memory_space<semaphore_mem>> -> memref<!tpu.dma_semaphore, #tpu.memory_space<semaphore_mem>>
        %dma_start3A_440 = arith.constant 0 : i32
        %dma_start3A_441 = arith.constant 0 : i32
        %dma_start3A_442 = tpu.memref_slice %arg9[%dma_start3A_430, %dma_start3A_440, %dma_start3A_441] : memref<2x128x128xf32, #tpu.memory_space<vmem>> -> memref<1x128x128xf32, #tpu.memory_space<vmem>>
        %dma_start3A_443 = tpu.memref_squeeze %dma_start3A_442 : memref<1x128x128xf32, #tpu.memory_space<vmem>> -> memref<128x128xf32, #tpu.memory_space<vmem>>
        %dma_start3A_444 = arith.constant 0 : i32
        %dma_start3A_445 = tpu.memref_slice %arg2[%mul3A_429, %dma_start3A_444] : memref<500000x128xf32, #tpu.memory_space<hbm>> -> memref<128x128xf32, #tpu.memory_space<hbm>>
        tpu.enqueue_dma source(%dma_start3A_445 : memref<128x128xf32, #tpu.memory_space<hbm>>) target(%dma_start3A_443 : memref<128x128xf32, #tpu.memory_space<vmem>>) target_semaphore(%dma_start3A_439 : memref<!tpu.dma_semaphore, #tpu.memory_space<semaphore_mem>>)
        %dma_start3A_446 = arith.constant 1 : i32
        %dma_start3A_447 = arith.constant 1 : i32
        %dma_start3A_448 = arith.constant 0 : i32
        %dma_start3A_449 = tpu.memref_slice %arg10[%dma_start3A_446, %dma_start3A_448] : memref<2x128xi32, #tpu.memory_space<vmem>> -> memref<1x128xi32, #tpu.memory_space<vmem>>
        %dma_start3A_450 = tpu.memref_squeeze %dma_start3A_449 : memref<1x128xi32, #tpu.memory_space<vmem>> -> memref<128xi32, #tpu.memory_space<vmem>>
        %dma_start3A_451 = tpu.memref_slice %arg3[%mul3A_429] : memref<500000xi32, #tpu.memory_space<hbm>> -> memref<128xi32, #tpu.memory_space<hbm>>
        %dma_start3A_452 = tpu.memref_slice %arg18[%dma_start3A_447] : memref<2x!tpu.dma_semaphore, #tpu.memory_space<semaphore_mem>> -> memref<1x!tpu.dma_semaphore, #tpu.memory_space<semaphore_mem>>
        %dma_start3A_453 = tpu.memref_squeeze %dma_start3A_452 : memref<1x!tpu.dma_semaphore, #tpu.memory_space<semaphore_mem>> -> memref<!tpu.dma_semaphore, #tpu.memory_space<semaphore_mem>>
        %dma_start3A_454 = arith.constant 0 : i32
        %dma_start3A_455 = tpu.memref_slice %arg10[%dma_start3A_446, %dma_start3A_454] : memref<2x128xi32, #tpu.memory_space<vmem>> -> memref<1x128xi32, #tpu.memory_space<vmem>>
        %dma_start3A_456 = tpu.memref_squeeze %dma_start3A_455 : memref<1x128xi32, #tpu.memory_space<vmem>> -> memref<128xi32, #tpu.memory_space<vmem>>
        %dma_start3A_457 = tpu.memref_slice %arg3[%mul3A_429] : memref<500000xi32, #tpu.memory_space<hbm>> -> memref<128xi32, #tpu.memory_space<hbm>>
        tpu.enqueue_dma source(%dma_start3A_457 : memref<128xi32, #tpu.memory_space<hbm>>) target(%dma_start3A_456 : memref<128xi32, #tpu.memory_space<vmem>>) target_semaphore(%dma_start3A_453 : memref<!tpu.dma_semaphore, #tpu.memory_space<semaphore_mem>>)
        %sub3A_458 = arith.constant 0 : i32
        %sub3A_459 = arith.subi %mul3A_429, %sub3A_458 : i32
        %dma_start3A_460 = arith.constant 1 : i32
        %dma_start3A_461 = arith.constant 1 : i32
        %dma_start3A_462 = arith.constant 0 : i32
        %dma_start3A_463 = tpu.memref_slice %arg11[%dma_start3A_460, %dma_start3A_462] : memref<2x128xf32, #tpu.memory_space<vmem>> -> memref<1x128xf32, #tpu.memory_space<vmem>>
        %dma_start3A_464 = tpu.memref_squeeze %dma_start3A_463 : memref<1x128xf32, #tpu.memory_space<vmem>> -> memref<128xf32, #tpu.memory_space<vmem>>
        %dma_start3A_465 = tpu.memref_slice %arg4[%sub3A_459] : memref<500000xf32, #tpu.memory_space<hbm>> -> memref<128xf32, #tpu.memory_space<hbm>>
        %dma_start3A_466 = tpu.memref_slice %arg19[%dma_start3A_461] : memref<2x!tpu.dma_semaphore, #tpu.memory_space<semaphore_mem>> -> memref<1x!tpu.dma_semaphore, #tpu.memory_space<semaphore_mem>>
        %dma_start3A_467 = tpu.memref_squeeze %dma_start3A_466 : memref<1x!tpu.dma_semaphore, #tpu.memory_space<semaphore_mem>> -> memref<!tpu.dma_semaphore, #tpu.memory_space<semaphore_mem>>
        %dma_start3A_468 = arith.constant 0 : i32
        %dma_start3A_469 = tpu.memref_slice %arg11[%dma_start3A_460, %dma_start3A_468] : memref<2x128xf32, #tpu.memory_space<vmem>> -> memref<1x128xf32, #tpu.memory_space<vmem>>
        %dma_start3A_470 = tpu.memref_squeeze %dma_start3A_469 : memref<1x128xf32, #tpu.memory_space<vmem>> -> memref<128xf32, #tpu.memory_space<vmem>>
        %dma_start3A_471 = tpu.memref_slice %arg4[%sub3A_459] : memref<500000xf32, #tpu.memory_space<hbm>> -> memref<128xf32, #tpu.memory_space<hbm>>
        tpu.enqueue_dma source(%dma_start3A_471 : memref<128xf32, #tpu.memory_space<hbm>>) target(%dma_start3A_470 : memref<128xf32, #tpu.memory_space<vmem>>) target_semaphore(%dma_start3A_467 : memref<!tpu.dma_semaphore, #tpu.memory_space<semaphore_mem>>)
      } else {
      }
    }
    %scan3A_100 = arith.constant 61 : i32
    %eq3A = arith.constant 0 : i32
    %eq3A_101 = arith.cmpi eq, %add3A, %eq3A : i32
    %convert_element_type3A = arith.extui %eq3A_101 : i1 to i32
    %cond3A = arith.constant 0 : i32
    %cond3A_102 = arith.cmpi ne, %convert_element_type3A, %cond3A : i32
    scf.if %cond3A_102 {
      %run_scoped3A = arith.constant 0 : i32
      "tpu.region"() ({
        %run_scoped3A_217 = tpu.sem_alloc : memref<!tpu.dma_semaphore, #tpu.memory_space<semaphore_mem>>
        %dma_start3A_218 = arith.constant 0 : i32
        %dma_start3A_219 = arith.constant 0 : i32
        %dma_start3A_220 = tpu.memref_slice %arg9[%run_scoped3A, %dma_start3A_218, %dma_start3A_219] : memref<2x128x128xf32, #tpu.memory_space<vmem>> -> memref<1x128x128xf32, #tpu.memory_space<vmem>>
        %dma_start3A_221 = tpu.memref_squeeze %dma_start3A_220 : memref<1x128x128xf32, #tpu.memory_space<vmem>> -> memref<128x128xf32, #tpu.memory_space<vmem>>
        %dma_start3A_222 = arith.constant 499712 : i32
        %dma_start3A_223 = arith.constant 0 : i32
        %dma_start3A_224 = tpu.memref_slice %arg2[%dma_start3A_222, %dma_start3A_223] : memref<500000x128xf32, #tpu.memory_space<hbm>> -> memref<128x128xf32, #tpu.memory_space<hbm>>
        %dma_start3A_225 = arith.constant 0 : i32
        %dma_start3A_226 = arith.constant 0 : i32
        %dma_start3A_227 = tpu.memref_slice %arg9[%run_scoped3A, %dma_start3A_225, %dma_start3A_226] : memref<2x128x128xf32, #tpu.memory_space<vmem>> -> memref<1x128x128xf32, #tpu.memory_space<vmem>>
        %dma_start3A_228 = tpu.memref_squeeze %dma_start3A_227 : memref<1x128x128xf32, #tpu.memory_space<vmem>> -> memref<128x128xf32, #tpu.memory_space<vmem>>
        %dma_start3A_229 = arith.constant 499712 : i32
        %dma_start3A_230 = arith.constant 0 : i32
        %dma_start3A_231 = tpu.memref_slice %arg2[%dma_start3A_229, %dma_start3A_230] : memref<500000x128xf32, #tpu.memory_space<hbm>> -> memref<128x128xf32, #tpu.memory_space<hbm>>
        tpu.enqueue_dma source(%dma_start3A_231 : memref<128x128xf32, #tpu.memory_space<hbm>>) target(%dma_start3A_228 : memref<128x128xf32, #tpu.memory_space<vmem>>) target_semaphore(%run_scoped3A_217 : memref<!tpu.dma_semaphore, #tpu.memory_space<semaphore_mem>>)
        %dma_wait3A = arith.constant 0 : i32
        %dma_wait3A_232 = arith.constant 0 : i32
        %dma_wait3A_233 = tpu.memref_slice %arg9[%run_scoped3A, %dma_wait3A, %dma_wait3A_232] : memref<2x128x128xf32, #tpu.memory_space<vmem>> -> memref<1x128x128xf32, #tpu.memory_space<vmem>>
        %dma_wait3A_234 = tpu.memref_squeeze %dma_wait3A_233 : memref<1x128x128xf32, #tpu.memory_space<vmem>> -> memref<128x128xf32, #tpu.memory_space<vmem>>
        %dma_wait3A_235 = arith.constant 499712 : i32
        %dma_wait3A_236 = arith.constant 0 : i32
        %dma_wait3A_237 = tpu.memref_slice %arg2[%dma_wait3A_235, %dma_wait3A_236] : memref<500000x128xf32, #tpu.memory_space<hbm>> -> memref<128x128xf32, #tpu.memory_space<hbm>>
        %dma_wait3A_238 = arith.constant 0 : i32
        %dma_wait3A_239 = arith.constant 0 : i32
        %dma_wait3A_240 = tpu.memref_slice %arg9[%run_scoped3A, %dma_wait3A_238, %dma_wait3A_239] : memref<2x128x128xf32, #tpu.memory_space<vmem>> -> memref<1x128x128xf32, #tpu.memory_space<vmem>>
        %dma_wait3A_241 = tpu.memref_squeeze %dma_wait3A_240 : memref<1x128x128xf32, #tpu.memory_space<vmem>> -> memref<128x128xf32, #tpu.memory_space<vmem>>
        %dma_wait3A_242 = arith.constant 499712 : i32
        %dma_wait3A_243 = arith.constant 0 : i32
        %dma_wait3A_244 = tpu.memref_slice %arg2[%dma_wait3A_242, %dma_wait3A_243] : memref<500000x128xf32, #tpu.memory_space<hbm>> -> memref<128x128xf32, #tpu.memory_space<hbm>>
        tpu.wait_dma2 semaphore(%run_scoped3A_217 : memref<!tpu.dma_semaphore, #tpu.memory_space<semaphore_mem>>) src(%dma_wait3A_244 : memref<128x128xf32, #tpu.memory_space<hbm>>) dst(%dma_wait3A_241 : memref<128x128xf32, #tpu.memory_space<vmem>>)
        tpu.yield
      }) : () -> ()
      %run_scoped3A_118 = arith.constant 0 : i32
      "tpu.region"() ({
        %run_scoped3A_217 = tpu.sem_alloc : memref<!tpu.dma_semaphore, #tpu.memory_space<semaphore_mem>>
        %dma_start3A_218 = arith.constant 0 : i32
        %dma_start3A_219 = tpu.memref_slice %arg10[%run_scoped3A_118, %dma_start3A_218] : memref<2x128xi32, #tpu.memory_space<vmem>> -> memref<1x128xi32, #tpu.memory_space<vmem>>
        %dma_start3A_220 = tpu.memref_squeeze %dma_start3A_219 : memref<1x128xi32, #tpu.memory_space<vmem>> -> memref<128xi32, #tpu.memory_space<vmem>>
        %dma_start3A_221 = arith.constant 499712 : i32
        %dma_start3A_222 = tpu.memref_slice %arg3[%dma_start3A_221] : memref<500000xi32, #tpu.memory_space<hbm>> -> memref<128xi32, #tpu.memory_space<hbm>>
        %dma_start3A_223 = arith.constant 0 : i32
        %dma_start3A_224 = tpu.memref_slice %arg10[%run_scoped3A_118, %dma_start3A_223] : memref<2x128xi32, #tpu.memory_space<vmem>> -> memref<1x128xi32, #tpu.memory_space<vmem>>
        %dma_start3A_225 = tpu.memref_squeeze %dma_start3A_224 : memref<1x128xi32, #tpu.memory_space<vmem>> -> memref<128xi32, #tpu.memory_space<vmem>>
        %dma_start3A_226 = arith.constant 499712 : i32
        %dma_start3A_227 = tpu.memref_slice %arg3[%dma_start3A_226] : memref<500000xi32, #tpu.memory_space<hbm>> -> memref<128xi32, #tpu.memory_space<hbm>>
        tpu.enqueue_dma source(%dma_start3A_227 : memref<128xi32, #tpu.memory_space<hbm>>) target(%dma_start3A_225 : memref<128xi32, #tpu.memory_space<vmem>>) target_semaphore(%run_scoped3A_217 : memref<!tpu.dma_semaphore, #tpu.memory_space<semaphore_mem>>)
        %dma_wait3A = arith.constant 0 : i32
        %dma_wait3A_228 = tpu.memref_slice %arg10[%run_scoped3A_118, %dma_wait3A] : memref<2x128xi32, #tpu.memory_space<vmem>> -> memref<1x128xi32, #tpu.memory_space<vmem>>
        %dma_wait3A_229 = tpu.memref_squeeze %dma_wait3A_228 : memref<1x128xi32, #tpu.memory_space<vmem>> -> memref<128xi32, #tpu.memory_space<vmem>>
        %dma_wait3A_230 = arith.constant 499712 : i32
        %dma_wait3A_231 = tpu.memref_slice %arg3[%dma_wait3A_230] : memref<500000xi32, #tpu.memory_space<hbm>> -> memref<128xi32, #tpu.memory_space<hbm>>
        %dma_wait3A_232 = arith.constant 0 : i32
        %dma_wait3A_233 = tpu.memref_slice %arg10[%run_scoped3A_118, %dma_wait3A_232] : memref<2x128xi32, #tpu.memory_space<vmem>> -> memref<1x128xi32, #tpu.memory_space<vmem>>
        %dma_wait3A_234 = tpu.memref_squeeze %dma_wait3A_233 : memref<1x128xi32, #tpu.memory_space<vmem>> -> memref<128xi32, #tpu.memory_space<vmem>>
        %dma_wait3A_235 = arith.constant 499712 : i32
        %dma_wait3A_236 = tpu.memref_slice %arg3[%dma_wait3A_235] : memref<500000xi32, #tpu.memory_space<hbm>> -> memref<128xi32, #tpu.memory_space<hbm>>
        tpu.wait_dma2 semaphore(%run_scoped3A_217 : memref<!tpu.dma_semaphore, #tpu.memory_space<semaphore_mem>>) src(%dma_wait3A_236 : memref<128xi32, #tpu.memory_space<hbm>>) dst(%dma_wait3A_234 : memref<128xi32, #tpu.memory_space<vmem>>)
        tpu.yield
      }) : () -> ()
      %run_scoped3A_119 = arith.constant 0 : i32
      "tpu.region"() ({
        %run_scoped3A_217 = tpu.sem_alloc : memref<!tpu.dma_semaphore, #tpu.memory_space<semaphore_mem>>
        %dma_start3A_218 = arith.constant 0 : i32
        %dma_start3A_219 = tpu.memref_slice %arg11[%run_scoped3A_119, %dma_start3A_218] : memref<2x128xf32, #tpu.memory_space<vmem>> -> memref<1x128xf32, #tpu.memory_space<vmem>>
        %dma_start3A_220 = tpu.memref_squeeze %dma_start3A_219 : memref<1x128xf32, #tpu.memory_space<vmem>> -> memref<128xf32, #tpu.memory_space<vmem>>
        %dma_start3A_221 = arith.constant 499712 : i32
        %dma_start3A_222 = tpu.memref_slice %arg4[%dma_start3A_221] : memref<500000xf32, #tpu.memory_space<hbm>> -> memref<128xf32, #tpu.memory_space<hbm>>
        %dma_start3A_223 = arith.constant 0 : i32
        %dma_start3A_224 = tpu.memref_slice %arg11[%run_scoped3A_119, %dma_start3A_223] : memref<2x128xf32, #tpu.memory_space<vmem>> -> memref<1x128xf32, #tpu.memory_space<vmem>>
        %dma_start3A_225 = tpu.memref_squeeze %dma_start3A_224 : memref<1x128xf32, #tpu.memory_space<vmem>> -> memref<128xf32, #tpu.memory_space<vmem>>
        %dma_start3A_226 = arith.constant 499712 : i32
        %dma_start3A_227 = tpu.memref_slice %arg4[%dma_start3A_226] : memref<500000xf32, #tpu.memory_space<hbm>> -> memref<128xf32, #tpu.memory_space<hbm>>
        tpu.enqueue_dma source(%dma_start3A_227 : memref<128xf32, #tpu.memory_space<hbm>>) target(%dma_start3A_225 : memref<128xf32, #tpu.memory_space<vmem>>) target_semaphore(%run_scoped3A_217 : memref<!tpu.dma_semaphore, #tpu.memory_space<semaphore_mem>>)
        %dma_wait3A = arith.constant 0 : i32
        %dma_wait3A_228 = tpu.memref_slice %arg11[%run_scoped3A_119, %dma_wait3A] : memref<2x128xf32, #tpu.memory_space<vmem>> -> memref<1x128xf32, #tpu.memory_space<vmem>>
        %dma_wait3A_229 = tpu.memref_squeeze %dma_wait3A_228 : memref<1x128xf32, #tpu.memory_space<vmem>> -> memref<128xf32, #tpu.memory_space<vmem>>
        %dma_wait3A_230 = arith.constant 499712 : i32
        %dma_wait3A_231 = tpu.memref_slice %arg4[%dma_wait3A_230] : memref<500000xf32, #tpu.memory_space<hbm>> -> memref<128xf32, #tpu.memory_space<hbm>>
        %dma_wait3A_232 = arith.constant 0 : i32
        %dma_wait3A_233 = tpu.memref_slice %arg11[%run_scoped3A_119, %dma_wait3A_232] : memref<2x128xf32, #tpu.memory_space<vmem>> -> memref<1x128xf32, #tpu.memory_space<vmem>>
        %dma_wait3A_234 = tpu.memref_squeeze %dma_wait3A_233 : memref<1x128xf32, #tpu.memory_space<vmem>> -> memref<128xf32, #tpu.memory_space<vmem>>
        %dma_wait3A_235 = arith.constant 499712 : i32
        %dma_wait3A_236 = tpu.memref_slice %arg4[%dma_wait3A_235] : memref<500000xf32, #tpu.memory_space<hbm>> -> memref<128xf32, #tpu.memory_space<hbm>>
        tpu.wait_dma2 semaphore(%run_scoped3A_217 : memref<!tpu.dma_semaphore, #tpu.memory_space<semaphore_mem>>) src(%dma_wait3A_236 : memref<128xf32, #tpu.memory_space<hbm>>) dst(%dma_wait3A_234 : memref<128xf32, #tpu.memory_space<vmem>>)
        tpu.yield
      }) : () -> ()
      %get3A = arith.constant 0 : i32
      %get3A_120 = arith.constant 0 : i32
      %get3A_121 = tpu.memref_slice %arg10[%get3A, %get3A_120] : memref<2x128xi32, #tpu.memory_space<vmem>> -> memref<1x128xi32, #tpu.memory_space<vmem>>
      %get3A_122 = tpu.memref_squeeze %get3A_121 : memref<1x128xi32, #tpu.memory_space<vmem>> -> memref<128xi32, #tpu.memory_space<vmem>>
      %get3A_123 = arith.constant 0 : index
      %get3A_124 = tpu.vector_load %get3A_122[%get3A_123] {strides = array<i32>} : memref<128xi32, #tpu.memory_space<vmem>>, vector<16xi32>,
      %get3A_125 = arith.constant 0 : i32
      %get3A_126 = arith.constant 0 : i32
      %get3A_127 = tpu.memref_slice %arg11[%get3A_125, %get3A_126] : memref<2x128xf32, #tpu.memory_space<vmem>> -> memref<1x128xf32, #tpu.memory_space<vmem>>
      %get3A_128 = tpu.memref_squeeze %get3A_127 : memref<1x128xf32, #tpu.memory_space<vmem>> -> memref<128xf32, #tpu.memory_space<vmem>>
      %get3A_129 = arith.constant 0 : index
      %get3A_130 = tpu.vector_load %get3A_128[%get3A_129] {strides = array<i32>} : memref<128xf32, #tpu.memory_space<vmem>>, vector<16xf32>,
      tpu.vector_store_idx %arg15[%get3A_124], %get3A_130 {add = true} : memref<8192xf32, #tpu.memory_space<vmem>>[vector<16xi32>], vector<16xf32>,
      %get3A_131 = arith.constant 0 : i32
      %get3A_132 = arith.constant 0 : i32
      %get3A_133 = tpu.memref_slice %arg10[%get3A_131, %get3A_132] : memref<2x128xi32, #tpu.memory_space<vmem>> -> memref<1x128xi32, #tpu.memory_space<vmem>>
      %get3A_134 = tpu.memref_squeeze %get3A_133 : memref<1x128xi32, #tpu.memory_space<vmem>> -> memref<128xi32, #tpu.memory_space<vmem>>
      %get3A_135 = arith.constant 16 : index
      %get3A_136 = tpu.vector_load %get3A_134[%get3A_135] {strides = array<i32>} : memref<128xi32, #tpu.memory_space<vmem>>, vector<16xi32>,
      %get3A_137 = arith.constant 0 : i32
      %get3A_138 = arith.constant 0 : i32
      %get3A_139 = tpu.memref_slice %arg11[%get3A_137, %get3A_138] : memref<2x128xf32, #tpu.memory_space<vmem>> -> memref<1x128xf32, #tpu.memory_space<vmem>>
      %get3A_140 = tpu.memref_squeeze %get3A_139 : memref<1x128xf32, #tpu.memory_space<vmem>> -> memref<128xf32, #tpu.memory_space<vmem>>
      %get3A_141 = arith.constant 16 : index
      %get3A_142 = tpu.vector_load %get3A_140[%get3A_141] {strides = array<i32>} : memref<128xf32, #tpu.memory_space<vmem>>, vector<16xf32>,
      tpu.vector_store_idx %arg15[%get3A_136], %get3A_142 {add = true} : memref<8192xf32, #tpu.memory_space<vmem>>[vector<16xi32>], vector<16xf32>,
      %get3A_143 = arith.constant 0 : i32
      %get3A_144 = arith.constant 0 : i32
      %get3A_145 = tpu.memref_slice %arg10[%get3A_143, %get3A_144] : memref<2x128xi32, #tpu.memory_space<vmem>> -> memref<1x128xi32, #tpu.memory_space<vmem>>
      %get3A_146 = tpu.memref_squeeze %get3A_145 : memref<1x128xi32, #tpu.memory_space<vmem>> -> memref<128xi32, #tpu.memory_space<vmem>>
      %get3A_147 = arith.constant 32 : index
      %get3A_148 = tpu.vector_load %get3A_146[%get3A_147] {strides = array<i32>} : memref<128xi32, #tpu.memory_space<vmem>>, vector<16xi32>,
      %get3A_149 = arith.constant 0 : i32
      %get3A_150 = arith.constant 0 : i32
      %get3A_151 = tpu.memref_slice %arg11[%get3A_149, %get3A_150] : memref<2x128xf32, #tpu.memory_space<vmem>> -> memref<1x128xf32, #tpu.memory_space<vmem>>
      %get3A_152 = tpu.memref_squeeze %get3A_151 : memref<1x128xf32, #tpu.memory_space<vmem>> -> memref<128xf32, #tpu.memory_space<vmem>>
      %get3A_153 = arith.constant 32 : index
      %get3A_154 = tpu.vector_load %get3A_152[%get3A_153] {strides = array<i32>} : memref<128xf32, #tpu.memory_space<vmem>>, vector<16xf32>,
      tpu.vector_store_idx %arg15[%get3A_148], %get3A_154 {add = true} : memref<8192xf32, #tpu.memory_space<vmem>>[vector<16xi32>], vector<16xf32>,
      %get3A_155 = arith.constant 0 : i32
      %get3A_156 = arith.constant 0 : i32
      %get3A_157 = tpu.memref_slice %arg10[%get3A_155, %get3A_156] : memref<2x128xi32, #tpu.memory_space<vmem>> -> memref<1x128xi32, #tpu.memory_space<vmem>>
      %get3A_158 = tpu.memref_squeeze %get3A_157 : memref<1x128xi32, #tpu.memory_space<vmem>> -> memref<128xi32, #tpu.memory_space<vmem>>
      %get3A_159 = arith.constant 48 : index
      %get3A_160 = tpu.vector_load %get3A_158[%get3A_159] {strides = array<i32>} : memref<128xi32, #tpu.memory_space<vmem>>, vector<16xi32>,
      %get3A_161 = arith.constant 0 : i32
      %get3A_162 = arith.constant 0 : i32
      %get3A_163 = tpu.memref_slice %arg11[%get3A_161, %get3A_162] : memref<2x128xf32, #tpu.memory_space<vmem>> -> memref<1x128xf32, #tpu.memory_space<vmem>>
      %get3A_164 = tpu.memref_squeeze %get3A_163 : memref<1x128xf32, #tpu.memory_space<vmem>> -> memref<128xf32, #tpu.memory_space<vmem>>
      %get3A_165 = arith.constant 48 : index
      %get3A_166 = tpu.vector_load %get3A_164[%get3A_165] {strides = array<i32>} : memref<128xf32, #tpu.memory_space<vmem>>, vector<16xf32>,
      tpu.vector_store_idx %arg15[%get3A_160], %get3A_166 {add = true} : memref<8192xf32, #tpu.memory_space<vmem>>[vector<16xi32>], vector<16xf32>,
      %get3A_167 = arith.constant 0 : i32
      %get3A_168 = arith.constant 0 : i32
      %get3A_169 = tpu.memref_slice %arg10[%get3A_167, %get3A_168] : memref<2x128xi32, #tpu.memory_space<vmem>> -> memref<1x128xi32, #tpu.memory_space<vmem>>
      %get3A_170 = tpu.memref_squeeze %get3A_169 : memref<1x128xi32, #tpu.memory_space<vmem>> -> memref<128xi32, #tpu.memory_space<vmem>>
      %get3A_171 = arith.constant 64 : index
      %get3A_172 = tpu.vector_load %get3A_170[%get3A_171] {strides = array<i32>} : memref<128xi32, #tpu.memory_space<vmem>>, vector<16xi32>,
      %get3A_173 = arith.constant 0 : i32
      %get3A_174 = arith.constant 0 : i32
      %get3A_175 = tpu.memref_slice %arg11[%get3A_173, %get3A_174] : memref<2x128xf32, #tpu.memory_space<vmem>> -> memref<1x128xf32, #tpu.memory_space<vmem>>
      %get3A_176 = tpu.memref_squeeze %get3A_175 : memref<1x128xf32, #tpu.memory_space<vmem>> -> memref<128xf32, #tpu.memory_space<vmem>>
      %get3A_177 = arith.constant 64 : index
      %get3A_178 = tpu.vector_load %get3A_176[%get3A_177] {strides = array<i32>} : memref<128xf32, #tpu.memory_space<vmem>>, vector<16xf32>,
      tpu.vector_store_idx %arg15[%get3A_172], %get3A_178 {add = true} : memref<8192xf32, #tpu.memory_space<vmem>>[vector<16xi32>], vector<16xf32>,
      %get3A_179 = arith.constant 0 : i32
      %get3A_180 = arith.constant 0 : i32
      %get3A_181 = tpu.memref_slice %arg10[%get3A_179, %get3A_180] : memref<2x128xi32, #tpu.memory_space<vmem>> -> memref<1x128xi32, #tpu.memory_space<vmem>>
      %get3A_182 = tpu.memref_squeeze %get3A_181 : memref<1x128xi32, #tpu.memory_space<vmem>> -> memref<128xi32, #tpu.memory_space<vmem>>
      %get3A_183 = arith.constant 80 : index
      %get3A_184 = tpu.vector_load %get3A_182[%get3A_183] {strides = array<i32>} : memref<128xi32, #tpu.memory_space<vmem>>, vector<16xi32>,
      %get3A_185 = arith.constant 0 : i32
      %get3A_186 = arith.constant 0 : i32
      %get3A_187 = tpu.memref_slice %arg11[%get3A_185, %get3A_186] : memref<2x128xf32, #tpu.memory_space<vmem>> -> memref<1x128xf32, #tpu.memory_space<vmem>>
      %get3A_188 = tpu.memref_squeeze %get3A_187 : memref<1x128xf32, #tpu.memory_space<vmem>> -> memref<128xf32, #tpu.memory_space<vmem>>
      %get3A_189 = arith.constant 80 : index
      %get3A_190 = tpu.vector_load %get3A_188[%get3A_189] {strides = array<i32>} : memref<128xf32, #tpu.memory_space<vmem>>, vector<16xf32>,
      tpu.vector_store_idx %arg15[%get3A_184], %get3A_190 {add = true} : memref<8192xf32, #tpu.memory_space<vmem>>[vector<16xi32>], vector<16xf32>,
      %get3A_191 = arith.constant 0 : i32
      %get3A_192 = arith.constant 0 : i32
      %get3A_193 = tpu.memref_slice %arg10[%get3A_191, %get3A_192] : memref<2x128xi32, #tpu.memory_space<vmem>> -> memref<1x128xi32, #tpu.memory_space<vmem>>
      %get3A_194 = tpu.memref_squeeze %get3A_193 : memref<1x128xi32, #tpu.memory_space<vmem>> -> memref<128xi32, #tpu.memory_space<vmem>>
      %get3A_195 = arith.constant 96 : index
      %get3A_196 = tpu.vector_load %get3A_194[%get3A_195] {strides = array<i32>} : memref<128xi32, #tpu.memory_space<vmem>>, vector<16xi32>,
      %get3A_197 = arith.constant 0 : i32
      %get3A_198 = arith.constant 0 : i32
      %get3A_199 = tpu.memref_slice %arg11[%get3A_197, %get3A_198] : memref<2x128xf32, #tpu.memory_space<vmem>> -> memref<1x128xf32, #tpu.memory_space<vmem>>
      %get3A_200 = tpu.memref_squeeze %get3A_199 : memref<1x128xf32, #tpu.memory_space<vmem>> -> memref<128xf32, #tpu.memory_space<vmem>>
      %get3A_201 = arith.constant 96 : index
      %get3A_202 = tpu.vector_load %get3A_200[%get3A_201] {strides = array<i32>} : memref<128xf32, #tpu.memory_space<vmem>>, vector<16xf32>,
      tpu.vector_store_idx %arg15[%get3A_196], %get3A_202 {add = true} : memref<8192xf32, #tpu.memory_space<vmem>>[vector<16xi32>], vector<16xf32>,
      %get3A_203 = arith.constant 0 : i32
      %get3A_204 = arith.constant 0 : i32
      %get3A_205 = tpu.memref_slice %arg10[%get3A_203, %get3A_204] : memref<2x128xi32, #tpu.memory_space<vmem>> -> memref<1x128xi32, #tpu.memory_space<vmem>>
      %get3A_206 = tpu.memref_squeeze %get3A_205 : memref<1x128xi32, #tpu.memory_space<vmem>> -> memref<128xi32, #tpu.memory_space<vmem>>
      %get3A_207 = arith.constant 112 : index
      %get3A_208 = tpu.vector_load %get3A_206[%get3A_207] {strides = array<i32>} : memref<128xi32, #tpu.memory_space<vmem>>, vector<16xi32>,
      %get3A_209 = arith.constant 0 : i32
      %get3A_210 = arith.constant 0 : i32
      %get3A_211 = tpu.memref_slice %arg11[%get3A_209, %get3A_210] : memref<2x128xf32, #tpu.memory_space<vmem>> -> memref<1x128xf32, #tpu.memory_space<vmem>>
      %get3A_212 = tpu.memref_squeeze %get3A_211 : memref<1x128xf32, #tpu.memory_space<vmem>> -> memref<128xf32, #tpu.memory_space<vmem>>
      %get3A_213 = arith.constant 112 : index
      %get3A_214 = tpu.vector_load %get3A_212[%get3A_213] {strides = array<i32>} : memref<128xf32, #tpu.memory_space<vmem>>, vector<16xf32>,
      tpu.vector_store_idx %arg15[%get3A_208], %get3A_214 {add = true} : memref<8192xf32, #tpu.memory_space<vmem>>[vector<16xi32>], vector<16xf32>,
      %run_scoped3A_215 = arith.constant 0 : i32
      %run_scoped3A_216 = arith.constant 0 : i32
      "tpu.region"() ({
        %run_scoped3A_217 = tpu.sem_alloc : memref<!tpu.dma_semaphore, #tpu.memory_space<semaphore_mem>>
        %dma_start3A_218 = arith.constant 0 : i32
        %dma_start3A_219 = arith.constant 0 : i32
        %dma_start3A_220 = tpu.memref_slice %arg9[%run_scoped3A_215, %dma_start3A_218, %dma_start3A_219] : memref<2x128x128xf32, #tpu.memory_space<vmem>> -> memref<1x128x128xf32, #tpu.memory_space<vmem>>
        %dma_start3A_221 = tpu.memref_squeeze %dma_start3A_220 : memref<1x128x128xf32, #tpu.memory_space<vmem>> -> memref<128x128xf32, #tpu.memory_space<vmem>>
        %dma_start3A_222 = arith.constant 0 : i32
        %dma_start3A_223 = tpu.memref_slice %arg10[%run_scoped3A_216, %dma_start3A_222] : memref<2x128xi32, #tpu.memory_space<vmem>> -> memref<1x128xi32, #tpu.memory_space<vmem>>
        %dma_start3A_224 = tpu.memref_squeeze %dma_start3A_223 : memref<1x128xi32, #tpu.memory_space<vmem>> -> memref<128xi32, #tpu.memory_space<vmem>>
        %dma_start3A_225 = arith.constant 0 : i32
        %dma_start3A_226 = arith.constant 0 : i32
        %dma_start3A_227 = tpu.memref_slice %arg16[%dma_start3A_225, %dma_start3A_226] : memref<8192x128xf32, #tpu.memory_space<vmem_shared>> -> memref<8192x128xf32, #tpu.memory_space<vmem_shared>>
        tpu.enqueue_indirect_dma source(%dma_start3A_221 : memref<128x128xf32, #tpu.memory_space<vmem>>) target(%dma_start3A_227 : memref<8192x128xf32, #tpu.memory_space<vmem_shared>>) offsets(%dma_start3A_224 : memref<128xi32, #tpu.memory_space<vmem>>) semaphore(%run_scoped3A_217 : memref<!tpu.dma_semaphore, #tpu.memory_space<semaphore_mem>>) {add = true}
        %dma_wait3A = arith.constant 0 : i32
        %dma_wait3A_228 = arith.constant 0 : i32
        %dma_wait3A_229 = tpu.memref_slice %arg9[%run_scoped3A_215, %dma_wait3A, %dma_wait3A_228] : memref<2x128x128xf32, #tpu.memory_space<vmem>> -> memref<1x128x128xf32, #tpu.memory_space<vmem>>
        %dma_wait3A_230 = tpu.memref_squeeze %dma_wait3A_229 : memref<1x128x128xf32, #tpu.memory_space<vmem>> -> memref<128x128xf32, #tpu.memory_space<vmem>>
        %dma_wait3A_231 = arith.constant 0 : i32
        %dma_wait3A_232 = tpu.memref_slice %arg10[%run_scoped3A_216, %dma_wait3A_231] : memref<2x128xi32, #tpu.memory_space<vmem>> -> memref<1x128xi32, #tpu.memory_space<vmem>>
        %dma_wait3A_233 = tpu.memref_squeeze %dma_wait3A_232 : memref<1x128xi32, #tpu.memory_space<vmem>> -> memref<128xi32, #tpu.memory_space<vmem>>
        %dma_wait3A_234 = arith.constant 0 : i32
        %dma_wait3A_235 = arith.constant 0 : i32
        %dma_wait3A_236 = tpu.memref_slice %arg16[%dma_wait3A_234, %dma_wait3A_235] : memref<8192x128xf32, #tpu.memory_space<vmem_shared>> -> memref<8192x128xf32, #tpu.memory_space<vmem_shared>>
        tpu.wait_indirect_dma semaphore(%run_scoped3A_217 : memref<!tpu.dma_semaphore, #tpu.memory_space<semaphore_mem>>) src(%dma_wait3A_230 : memref<128x128xf32, #tpu.memory_space<vmem>>) dst(%dma_wait3A_236 : memref<8192x128xf32, #tpu.memory_space<vmem_shared>>)
        tpu.yield
      }) : () -> ()
    } else {
    }
    %eq3A_103 = arith.constant 1 : i32
    %eq3A_104 = arith.cmpi eq, %add3A, %eq3A_103 : i32
    %convert_element_type3A_105 = arith.extui %eq3A_104 : i1 to i32
    %cond3A_106 = arith.constant 0 : i32
    %cond3A_107 = arith.cmpi ne, %convert_element_type3A_105, %cond3A_106 : i32
    scf.if %cond3A_107 {
      %run_scoped3A = arith.constant 0 : i32
      "tpu.region"() ({
        %run_scoped3A_217 = tpu.sem_alloc : memref<!tpu.dma_semaphore, #tpu.memory_space<semaphore_mem>>
        %dma_start3A_218 = arith.constant 0 : i32
        %dma_start3A_219 = arith.constant 0 : i32
        %dma_start3A_220 = tpu.memref_slice %arg9[%run_scoped3A, %dma_start3A_218, %dma_start3A_219] : memref<2x128x128xf32, #tpu.memory_space<vmem>> -> memref<1x128x128xf32, #tpu.memory_space<vmem>>
        %dma_start3A_221 = tpu.memref_squeeze %dma_start3A_220 : memref<1x128x128xf32, #tpu.memory_space<vmem>> -> memref<128x128xf32, #tpu.memory_space<vmem>>
        %dma_start3A_222 = arith.constant 499840 : i32
        %dma_start3A_223 = arith.constant 0 : i32
        %dma_start3A_224 = tpu.memref_slice %arg2[%dma_start3A_222, %dma_start3A_223] : memref<500000x128xf32, #tpu.memory_space<hbm>> -> memref<128x128xf32, #tpu.memory_space<hbm>>
        %dma_start3A_225 = arith.constant 0 : i32
        %dma_start3A_226 = arith.constant 0 : i32
        %dma_start3A_227 = tpu.memref_slice %arg9[%run_scoped3A, %dma_start3A_225, %dma_start3A_226] : memref<2x128x128xf32, #tpu.memory_space<vmem>> -> memref<1x128x128xf32, #tpu.memory_space<vmem>>
        %dma_start3A_228 = tpu.memref_squeeze %dma_start3A_227 : memref<1x128x128xf32, #tpu.memory_space<vmem>> -> memref<128x128xf32, #tpu.memory_space<vmem>>
        %dma_start3A_229 = arith.constant 499840 : i32
        %dma_start3A_230 = arith.constant 0 : i32
        %dma_start3A_231 = tpu.memref_slice %arg2[%dma_start3A_229, %dma_start3A_230] : memref<500000x128xf32, #tpu.memory_space<hbm>> -> memref<128x128xf32, #tpu.memory_space<hbm>>
        tpu.enqueue_dma source(%dma_start3A_231 : memref<128x128xf32, #tpu.memory_space<hbm>>) target(%dma_start3A_228 : memref<128x128xf32, #tpu.memory_space<vmem>>) target_semaphore(%run_scoped3A_217 : memref<!tpu.dma_semaphore, #tpu.memory_space<semaphore_mem>>)
        %dma_wait3A = arith.constant 0 : i32
        %dma_wait3A_232 = arith.constant 0 : i32
        %dma_wait3A_233 = tpu.memref_slice %arg9[%run_scoped3A, %dma_wait3A, %dma_wait3A_232] : memref<2x128x128xf32, #tpu.memory_space<vmem>> -> memref<1x128x128xf32, #tpu.memory_space<vmem>>
        %dma_wait3A_234 = tpu.memref_squeeze %dma_wait3A_233 : memref<1x128x128xf32, #tpu.memory_space<vmem>> -> memref<128x128xf32, #tpu.memory_space<vmem>>
        %dma_wait3A_235 = arith.constant 499840 : i32
        %dma_wait3A_236 = arith.constant 0 : i32
        %dma_wait3A_237 = tpu.memref_slice %arg2[%dma_wait3A_235, %dma_wait3A_236] : memref<500000x128xf32, #tpu.memory_space<hbm>> -> memref<128x128xf32, #tpu.memory_space<hbm>>
        %dma_wait3A_238 = arith.constant 0 : i32
        %dma_wait3A_239 = arith.constant 0 : i32
        %dma_wait3A_240 = tpu.memref_slice %arg9[%run_scoped3A, %dma_wait3A_238, %dma_wait3A_239] : memref<2x128x128xf32, #tpu.memory_space<vmem>> -> memref<1x128x128xf32, #tpu.memory_space<vmem>>
        %dma_wait3A_241 = tpu.memref_squeeze %dma_wait3A_240 : memref<1x128x128xf32, #tpu.memory_space<vmem>> -> memref<128x128xf32, #tpu.memory_space<vmem>>
        %dma_wait3A_242 = arith.constant 499840 : i32
        %dma_wait3A_243 = arith.constant 0 : i32
        %dma_wait3A_244 = tpu.memref_slice %arg2[%dma_wait3A_242, %dma_wait3A_243] : memref<500000x128xf32, #tpu.memory_space<hbm>> -> memref<128x128xf32, #tpu.memory_space<hbm>>
        tpu.wait_dma2 semaphore(%run_scoped3A_217 : memref<!tpu.dma_semaphore, #tpu.memory_space<semaphore_mem>>) src(%dma_wait3A_244 : memref<128x128xf32, #tpu.memory_space<hbm>>) dst(%dma_wait3A_241 : memref<128x128xf32, #tpu.memory_space<vmem>>)
        tpu.yield
      }) : () -> ()
      %run_scoped3A_118 = arith.constant 0 : i32
      "tpu.region"() ({
        %run_scoped3A_217 = tpu.sem_alloc : memref<!tpu.dma_semaphore, #tpu.memory_space<semaphore_mem>>
        %dma_start3A_218 = arith.constant 0 : i32
        %dma_start3A_219 = tpu.memref_slice %arg10[%run_scoped3A_118, %dma_start3A_218] : memref<2x128xi32, #tpu.memory_space<vmem>> -> memref<1x128xi32, #tpu.memory_space<vmem>>
        %dma_start3A_220 = tpu.memref_squeeze %dma_start3A_219 : memref<1x128xi32, #tpu.memory_space<vmem>> -> memref<128xi32, #tpu.memory_space<vmem>>
        %dma_start3A_221 = arith.constant 499840 : i32
        %dma_start3A_222 = tpu.memref_slice %arg3[%dma_start3A_221] : memref<500000xi32, #tpu.memory_space<hbm>> -> memref<128xi32, #tpu.memory_space<hbm>>
        %dma_start3A_223 = arith.constant 0 : i32
        %dma_start3A_224 = tpu.memref_slice %arg10[%run_scoped3A_118, %dma_start3A_223] : memref<2x128xi32, #tpu.memory_space<vmem>> -> memref<1x128xi32, #tpu.memory_space<vmem>>
        %dma_start3A_225 = tpu.memref_squeeze %dma_start3A_224 : memref<1x128xi32, #tpu.memory_space<vmem>> -> memref<128xi32, #tpu.memory_space<vmem>>
        %dma_start3A_226 = arith.constant 499840 : i32
        %dma_start3A_227 = tpu.memref_slice %arg3[%dma_start3A_226] : memref<500000xi32, #tpu.memory_space<hbm>> -> memref<128xi32, #tpu.memory_space<hbm>>
        tpu.enqueue_dma source(%dma_start3A_227 : memref<128xi32, #tpu.memory_space<hbm>>) target(%dma_start3A_225 : memref<128xi32, #tpu.memory_space<vmem>>) target_semaphore(%run_scoped3A_217 : memref<!tpu.dma_semaphore, #tpu.memory_space<semaphore_mem>>)
        %dma_wait3A = arith.constant 0 : i32
        %dma_wait3A_228 = tpu.memref_slice %arg10[%run_scoped3A_118, %dma_wait3A] : memref<2x128xi32, #tpu.memory_space<vmem>> -> memref<1x128xi32, #tpu.memory_space<vmem>>
        %dma_wait3A_229 = tpu.memref_squeeze %dma_wait3A_228 : memref<1x128xi32, #tpu.memory_space<vmem>> -> memref<128xi32, #tpu.memory_space<vmem>>
        %dma_wait3A_230 = arith.constant 499840 : i32
        %dma_wait3A_231 = tpu.memref_slice %arg3[%dma_wait3A_230] : memref<500000xi32, #tpu.memory_space<hbm>> -> memref<128xi32, #tpu.memory_space<hbm>>
        %dma_wait3A_232 = arith.constant 0 : i32
        %dma_wait3A_233 = tpu.memref_slice %arg10[%run_scoped3A_118, %dma_wait3A_232] : memref<2x128xi32, #tpu.memory_space<vmem>> -> memref<1x128xi32, #tpu.memory_space<vmem>>
        %dma_wait3A_234 = tpu.memref_squeeze %dma_wait3A_233 : memref<1x128xi32, #tpu.memory_space<vmem>> -> memref<128xi32, #tpu.memory_space<vmem>>
        %dma_wait3A_235 = arith.constant 499840 : i32
        %dma_wait3A_236 = tpu.memref_slice %arg3[%dma_wait3A_235] : memref<500000xi32, #tpu.memory_space<hbm>> -> memref<128xi32, #tpu.memory_space<hbm>>
        tpu.wait_dma2 semaphore(%run_scoped3A_217 : memref<!tpu.dma_semaphore, #tpu.memory_space<semaphore_mem>>) src(%dma_wait3A_236 : memref<128xi32, #tpu.memory_space<hbm>>) dst(%dma_wait3A_234 : memref<128xi32, #tpu.memory_space<vmem>>)
        tpu.yield
      }) : () -> ()
      %run_scoped3A_119 = arith.constant 0 : i32
      "tpu.region"() ({
        %run_scoped3A_217 = tpu.sem_alloc : memref<!tpu.dma_semaphore, #tpu.memory_space<semaphore_mem>>
        %dma_start3A_218 = arith.constant 0 : i32
        %dma_start3A_219 = tpu.memref_slice %arg11[%run_scoped3A_119, %dma_start3A_218] : memref<2x128xf32, #tpu.memory_space<vmem>> -> memref<1x128xf32, #tpu.memory_space<vmem>>
        %dma_start3A_220 = tpu.memref_squeeze %dma_start3A_219 : memref<1x128xf32, #tpu.memory_space<vmem>> -> memref<128xf32, #tpu.memory_space<vmem>>
        %dma_start3A_221 = arith.constant 499840 : i32
        %dma_start3A_222 = tpu.memref_slice %arg4[%dma_start3A_221] : memref<500000xf32, #tpu.memory_space<hbm>> -> memref<128xf32, #tpu.memory_space<hbm>>
        %dma_start3A_223 = arith.constant 0 : i32
        %dma_start3A_224 = tpu.memref_slice %arg11[%run_scoped3A_119, %dma_start3A_223] : memref<2x128xf32, #tpu.memory_space<vmem>> -> memref<1x128xf32, #tpu.memory_space<vmem>>
        %dma_start3A_225 = tpu.memref_squeeze %dma_start3A_224 : memref<1x128xf32, #tpu.memory_space<vmem>> -> memref<128xf32, #tpu.memory_space<vmem>>
        %dma_start3A_226 = arith.constant 499840 : i32
        %dma_start3A_227 = tpu.memref_slice %arg4[%dma_start3A_226] : memref<500000xf32, #tpu.memory_space<hbm>> -> memref<128xf32, #tpu.memory_space<hbm>>
        tpu.enqueue_dma source(%dma_start3A_227 : memref<128xf32, #tpu.memory_space<hbm>>) target(%dma_start3A_225 : memref<128xf32, #tpu.memory_space<vmem>>) target_semaphore(%run_scoped3A_217 : memref<!tpu.dma_semaphore, #tpu.memory_space<semaphore_mem>>)
        %dma_wait3A = arith.constant 0 : i32
        %dma_wait3A_228 = tpu.memref_slice %arg11[%run_scoped3A_119, %dma_wait3A] : memref<2x128xf32, #tpu.memory_space<vmem>> -> memref<1x128xf32, #tpu.memory_space<vmem>>
        %dma_wait3A_229 = tpu.memref_squeeze %dma_wait3A_228 : memref<1x128xf32, #tpu.memory_space<vmem>> -> memref<128xf32, #tpu.memory_space<vmem>>
        %dma_wait3A_230 = arith.constant 499840 : i32
        %dma_wait3A_231 = tpu.memref_slice %arg4[%dma_wait3A_230] : memref<500000xf32, #tpu.memory_space<hbm>> -> memref<128xf32, #tpu.memory_space<hbm>>
        %dma_wait3A_232 = arith.constant 0 : i32
        %dma_wait3A_233 = tpu.memref_slice %arg11[%run_scoped3A_119, %dma_wait3A_232] : memref<2x128xf32, #tpu.memory_space<vmem>> -> memref<1x128xf32, #tpu.memory_space<vmem>>
        %dma_wait3A_234 = tpu.memref_squeeze %dma_wait3A_233 : memref<1x128xf32, #tpu.memory_space<vmem>> -> memref<128xf32, #tpu.memory_space<vmem>>
        %dma_wait3A_235 = arith.constant 499840 : i32
        %dma_wait3A_236 = tpu.memref_slice %arg4[%dma_wait3A_235] : memref<500000xf32, #tpu.memory_space<hbm>> -> memref<128xf32, #tpu.memory_space<hbm>>
        tpu.wait_dma2 semaphore(%run_scoped3A_217 : memref<!tpu.dma_semaphore, #tpu.memory_space<semaphore_mem>>) src(%dma_wait3A_236 : memref<128xf32, #tpu.memory_space<hbm>>) dst(%dma_wait3A_234 : memref<128xf32, #tpu.memory_space<vmem>>)
        tpu.yield
      }) : () -> ()
      %get3A = arith.constant 0 : i32
      %get3A_120 = arith.constant 0 : i32
      %get3A_121 = tpu.memref_slice %arg10[%get3A, %get3A_120] : memref<2x128xi32, #tpu.memory_space<vmem>> -> memref<1x128xi32, #tpu.memory_space<vmem>>
      %get3A_122 = tpu.memref_squeeze %get3A_121 : memref<1x128xi32, #tpu.memory_space<vmem>> -> memref<128xi32, #tpu.memory_space<vmem>>
      %get3A_123 = arith.constant 0 : index
      %get3A_124 = tpu.vector_load %get3A_122[%get3A_123] {strides = array<i32>} : memref<128xi32, #tpu.memory_space<vmem>>, vector<16xi32>,
      %get3A_125 = arith.constant 0 : i32
      %get3A_126 = arith.constant 0 : i32
      %get3A_127 = tpu.memref_slice %arg11[%get3A_125, %get3A_126] : memref<2x128xf32, #tpu.memory_space<vmem>> -> memref<1x128xf32, #tpu.memory_space<vmem>>
      %get3A_128 = tpu.memref_squeeze %get3A_127 : memref<1x128xf32, #tpu.memory_space<vmem>> -> memref<128xf32, #tpu.memory_space<vmem>>
      %get3A_129 = arith.constant 0 : index
      %get3A_130 = tpu.vector_load %get3A_128[%get3A_129] {strides = array<i32>} : memref<128xf32, #tpu.memory_space<vmem>>, vector<16xf32>,
      tpu.vector_store_idx %arg15[%get3A_124], %get3A_130 {add = true} : memref<8192xf32, #tpu.memory_space<vmem>>[vector<16xi32>], vector<16xf32>,
      %get3A_131 = arith.constant 0 : i32
      %get3A_132 = arith.constant 0 : i32
      %get3A_133 = tpu.memref_slice %arg10[%get3A_131, %get3A_132] : memref<2x128xi32, #tpu.memory_space<vmem>> -> memref<1x128xi32, #tpu.memory_space<vmem>>
      %get3A_134 = tpu.memref_squeeze %get3A_133 : memref<1x128xi32, #tpu.memory_space<vmem>> -> memref<128xi32, #tpu.memory_space<vmem>>
      %get3A_135 = arith.constant 16 : index
      %get3A_136 = tpu.vector_load %get3A_134[%get3A_135] {strides = array<i32>} : memref<128xi32, #tpu.memory_space<vmem>>, vector<16xi32>,
      %get3A_137 = arith.constant 0 : i32
      %get3A_138 = arith.constant 0 : i32
      %get3A_139 = tpu.memref_slice %arg11[%get3A_137, %get3A_138] : memref<2x128xf32, #tpu.memory_space<vmem>> -> memref<1x128xf32, #tpu.memory_space<vmem>>
      %get3A_140 = tpu.memref_squeeze %get3A_139 : memref<1x128xf32, #tpu.memory_space<vmem>> -> memref<128xf32, #tpu.memory_space<vmem>>
      %get3A_141 = arith.constant 16 : index
      %get3A_142 = tpu.vector_load %get3A_140[%get3A_141] {strides = array<i32>} : memref<128xf32, #tpu.memory_space<vmem>>, vector<16xf32>,
      tpu.vector_store_idx %arg15[%get3A_136], %get3A_142 {add = true} : memref<8192xf32, #tpu.memory_space<vmem>>[vector<16xi32>], vector<16xf32>,
      %get3A_143 = arith.constant 0 : i32
      %get3A_144 = arith.constant 0 : i32
      %get3A_145 = tpu.memref_slice %arg10[%get3A_143, %get3A_144] : memref<2x128xi32, #tpu.memory_space<vmem>> -> memref<1x128xi32, #tpu.memory_space<vmem>>
      %get3A_146 = tpu.memref_squeeze %get3A_145 : memref<1x128xi32, #tpu.memory_space<vmem>> -> memref<128xi32, #tpu.memory_space<vmem>>
      %get3A_147 = arith.constant 32 : index
      %get3A_148 = tpu.vector_load %get3A_146[%get3A_147] {strides = array<i32>} : memref<128xi32, #tpu.memory_space<vmem>>, vector<16xi32>,
      %get3A_149 = arith.constant 0 : i32
      %get3A_150 = arith.constant 0 : i32
      %get3A_151 = tpu.memref_slice %arg11[%get3A_149, %get3A_150] : memref<2x128xf32, #tpu.memory_space<vmem>> -> memref<1x128xf32, #tpu.memory_space<vmem>>
      %get3A_152 = tpu.memref_squeeze %get3A_151 : memref<1x128xf32, #tpu.memory_space<vmem>> -> memref<128xf32, #tpu.memory_space<vmem>>
      %get3A_153 = arith.constant 32 : index
      %get3A_154 = tpu.vector_load %get3A_152[%get3A_153] {strides = array<i32>} : memref<128xf32, #tpu.memory_space<vmem>>, vector<16xf32>,
      tpu.vector_store_idx %arg15[%get3A_148], %get3A_154 {add = true} : memref<8192xf32, #tpu.memory_space<vmem>>[vector<16xi32>], vector<16xf32>,
      %get3A_155 = arith.constant 0 : i32
      %get3A_156 = arith.constant 0 : i32
      %get3A_157 = tpu.memref_slice %arg10[%get3A_155, %get3A_156] : memref<2x128xi32, #tpu.memory_space<vmem>> -> memref<1x128xi32, #tpu.memory_space<vmem>>
      %get3A_158 = tpu.memref_squeeze %get3A_157 : memref<1x128xi32, #tpu.memory_space<vmem>> -> memref<128xi32, #tpu.memory_space<vmem>>
      %get3A_159 = arith.constant 48 : index
      %get3A_160 = tpu.vector_load %get3A_158[%get3A_159] {strides = array<i32>} : memref<128xi32, #tpu.memory_space<vmem>>, vector<16xi32>,
      %get3A_161 = arith.constant 0 : i32
      %get3A_162 = arith.constant 0 : i32
      %get3A_163 = tpu.memref_slice %arg11[%get3A_161, %get3A_162] : memref<2x128xf32, #tpu.memory_space<vmem>> -> memref<1x128xf32, #tpu.memory_space<vmem>>
      %get3A_164 = tpu.memref_squeeze %get3A_163 : memref<1x128xf32, #tpu.memory_space<vmem>> -> memref<128xf32, #tpu.memory_space<vmem>>
      %get3A_165 = arith.constant 48 : index
      %get3A_166 = tpu.vector_load %get3A_164[%get3A_165] {strides = array<i32>} : memref<128xf32, #tpu.memory_space<vmem>>, vector<16xf32>,
      tpu.vector_store_idx %arg15[%get3A_160], %get3A_166 {add = true} : memref<8192xf32, #tpu.memory_space<vmem>>[vector<16xi32>], vector<16xf32>,
      %get3A_167 = arith.constant 0 : i32
      %get3A_168 = arith.constant 0 : i32
      %get3A_169 = tpu.memref_slice %arg10[%get3A_167, %get3A_168] : memref<2x128xi32, #tpu.memory_space<vmem>> -> memref<1x128xi32, #tpu.memory_space<vmem>>
      %get3A_170 = tpu.memref_squeeze %get3A_169 : memref<1x128xi32, #tpu.memory_space<vmem>> -> memref<128xi32, #tpu.memory_space<vmem>>
      %get3A_171 = arith.constant 64 : index
      %get3A_172 = tpu.vector_load %get3A_170[%get3A_171] {strides = array<i32>} : memref<128xi32, #tpu.memory_space<vmem>>, vector<16xi32>,
      %get3A_173 = arith.constant 0 : i32
      %get3A_174 = arith.constant 0 : i32
      %get3A_175 = tpu.memref_slice %arg11[%get3A_173, %get3A_174] : memref<2x128xf32, #tpu.memory_space<vmem>> -> memref<1x128xf32, #tpu.memory_space<vmem>>
      %get3A_176 = tpu.memref_squeeze %get3A_175 : memref<1x128xf32, #tpu.memory_space<vmem>> -> memref<128xf32, #tpu.memory_space<vmem>>
      %get3A_177 = arith.constant 64 : index
      %get3A_178 = tpu.vector_load %get3A_176[%get3A_177] {strides = array<i32>} : memref<128xf32, #tpu.memory_space<vmem>>, vector<16xf32>,
      tpu.vector_store_idx %arg15[%get3A_172], %get3A_178 {add = true} : memref<8192xf32, #tpu.memory_space<vmem>>[vector<16xi32>], vector<16xf32>,
      %get3A_179 = arith.constant 0 : i32
      %get3A_180 = arith.constant 0 : i32
      %get3A_181 = tpu.memref_slice %arg10[%get3A_179, %get3A_180] : memref<2x128xi32, #tpu.memory_space<vmem>> -> memref<1x128xi32, #tpu.memory_space<vmem>>
      %get3A_182 = tpu.memref_squeeze %get3A_181 : memref<1x128xi32, #tpu.memory_space<vmem>> -> memref<128xi32, #tpu.memory_space<vmem>>
      %get3A_183 = arith.constant 80 : index
      %get3A_184 = tpu.vector_load %get3A_182[%get3A_183] {strides = array<i32>} : memref<128xi32, #tpu.memory_space<vmem>>, vector<16xi32>,
      %get3A_185 = arith.constant 0 : i32
      %get3A_186 = arith.constant 0 : i32
      %get3A_187 = tpu.memref_slice %arg11[%get3A_185, %get3A_186] : memref<2x128xf32, #tpu.memory_space<vmem>> -> memref<1x128xf32, #tpu.memory_space<vmem>>
      %get3A_188 = tpu.memref_squeeze %get3A_187 : memref<1x128xf32, #tpu.memory_space<vmem>> -> memref<128xf32, #tpu.memory_space<vmem>>
      %get3A_189 = arith.constant 80 : index
      %get3A_190 = tpu.vector_load %get3A_188[%get3A_189] {strides = array<i32>} : memref<128xf32, #tpu.memory_space<vmem>>, vector<16xf32>,
      tpu.vector_store_idx %arg15[%get3A_184], %get3A_190 {add = true} : memref<8192xf32, #tpu.memory_space<vmem>>[vector<16xi32>], vector<16xf32>,
      %get3A_191 = arith.constant 0 : i32
      %get3A_192 = arith.constant 0 : i32
      %get3A_193 = tpu.memref_slice %arg10[%get3A_191, %get3A_192] : memref<2x128xi32, #tpu.memory_space<vmem>> -> memref<1x128xi32, #tpu.memory_space<vmem>>
      %get3A_194 = tpu.memref_squeeze %get3A_193 : memref<1x128xi32, #tpu.memory_space<vmem>> -> memref<128xi32, #tpu.memory_space<vmem>>
      %get3A_195 = arith.constant 96 : index
      %get3A_196 = tpu.vector_load %get3A_194[%get3A_195] {strides = array<i32>} : memref<128xi32, #tpu.memory_space<vmem>>, vector<16xi32>,
      %get3A_197 = arith.constant 0 : i32
      %get3A_198 = arith.constant 0 : i32
      %get3A_199 = tpu.memref_slice %arg11[%get3A_197, %get3A_198] : memref<2x128xf32, #tpu.memory_space<vmem>> -> memref<1x128xf32, #tpu.memory_space<vmem>>
      %get3A_200 = tpu.memref_squeeze %get3A_199 : memref<1x128xf32, #tpu.memory_space<vmem>> -> memref<128xf32, #tpu.memory_space<vmem>>
      %get3A_201 = arith.constant 96 : index
      %get3A_202 = tpu.vector_load %get3A_200[%get3A_201] {strides = array<i32>} : memref<128xf32, #tpu.memory_space<vmem>>, vector<16xf32>,
      tpu.vector_store_idx %arg15[%get3A_196], %get3A_202 {add = true} : memref<8192xf32, #tpu.memory_space<vmem>>[vector<16xi32>], vector<16xf32>,
      %get3A_203 = arith.constant 0 : i32
      %get3A_204 = arith.constant 0 : i32
      %get3A_205 = tpu.memref_slice %arg10[%get3A_203, %get3A_204] : memref<2x128xi32, #tpu.memory_space<vmem>> -> memref<1x128xi32, #tpu.memory_space<vmem>>
      %get3A_206 = tpu.memref_squeeze %get3A_205 : memref<1x128xi32, #tpu.memory_space<vmem>> -> memref<128xi32, #tpu.memory_space<vmem>>
      %get3A_207 = arith.constant 112 : index
      %get3A_208 = tpu.vector_load %get3A_206[%get3A_207] {strides = array<i32>} : memref<128xi32, #tpu.memory_space<vmem>>, vector<16xi32>,
      %get3A_209 = arith.constant 0 : i32
      %get3A_210 = arith.constant 0 : i32
      %get3A_211 = tpu.memref_slice %arg11[%get3A_209, %get3A_210] : memref<2x128xf32, #tpu.memory_space<vmem>> -> memref<1x128xf32, #tpu.memory_space<vmem>>
      %get3A_212 = tpu.memref_squeeze %get3A_211 : memref<1x128xf32, #tpu.memory_space<vmem>> -> memref<128xf32, #tpu.memory_space<vmem>>
      %get3A_213 = arith.constant 112 : index
      %get3A_214 = tpu.vector_load %get3A_212[%get3A_213] {strides = array<i32>} : memref<128xf32, #tpu.memory_space<vmem>>, vector<16xf32>,
      tpu.vector_store_idx %arg15[%get3A_208], %get3A_214 {add = true} : memref<8192xf32, #tpu.memory_space<vmem>>[vector<16xi32>], vector<16xf32>,
      %run_scoped3A_215 = arith.constant 0 : i32
      %run_scoped3A_216 = arith.constant 0 : i32
      "tpu.region"() ({
        %run_scoped3A_217 = tpu.sem_alloc : memref<!tpu.dma_semaphore, #tpu.memory_space<semaphore_mem>>
        %dma_start3A_218 = arith.constant 0 : i32
        %dma_start3A_219 = arith.constant 0 : i32
        %dma_start3A_220 = tpu.memref_slice %arg9[%run_scoped3A_215, %dma_start3A_218, %dma_start3A_219] : memref<2x128x128xf32, #tpu.memory_space<vmem>> -> memref<1x128x128xf32, #tpu.memory_space<vmem>>
        %dma_start3A_221 = tpu.memref_squeeze %dma_start3A_220 : memref<1x128x128xf32, #tpu.memory_space<vmem>> -> memref<128x128xf32, #tpu.memory_space<vmem>>
        %dma_start3A_222 = arith.constant 0 : i32
        %dma_start3A_223 = tpu.memref_slice %arg10[%run_scoped3A_216, %dma_start3A_222] : memref<2x128xi32, #tpu.memory_space<vmem>> -> memref<1x128xi32, #tpu.memory_space<vmem>>
        %dma_start3A_224 = tpu.memref_squeeze %dma_start3A_223 : memref<1x128xi32, #tpu.memory_space<vmem>> -> memref<128xi32, #tpu.memory_space<vmem>>
        %dma_start3A_225 = arith.constant 0 : i32
        %dma_start3A_226 = arith.constant 0 : i32
        %dma_start3A_227 = tpu.memref_slice %arg16[%dma_start3A_225, %dma_start3A_226] : memref<8192x128xf32, #tpu.memory_space<vmem_shared>> -> memref<8192x128xf32, #tpu.memory_space<vmem_shared>>
        tpu.enqueue_indirect_dma source(%dma_start3A_221 : memref<128x128xf32, #tpu.memory_space<vmem>>) target(%dma_start3A_227 : memref<8192x128xf32, #tpu.memory_space<vmem_shared>>) offsets(%dma_start3A_224 : memref<128xi32, #tpu.memory_space<vmem>>) semaphore(%run_scoped3A_217 : memref<!tpu.dma_semaphore, #tpu.memory_space<semaphore_mem>>) {add = true}
        %dma_wait3A = arith.constant 0 : i32
        %dma_wait3A_228 = arith.constant 0 : i32
        %dma_wait3A_229 = tpu.memref_slice %arg9[%run_scoped3A_215, %dma_wait3A, %dma_wait3A_228] : memref<2x128x128xf32, #tpu.memory_space<vmem>> -> memref<1x128x128xf32, #tpu.memory_space<vmem>>
        %dma_wait3A_230 = tpu.memref_squeeze %dma_wait3A_229 : memref<1x128x128xf32, #tpu.memory_space<vmem>> -> memref<128x128xf32, #tpu.memory_space<vmem>>
        %dma_wait3A_231 = arith.constant 0 : i32
        %dma_wait3A_232 = tpu.memref_slice %arg10[%run_scoped3A_216, %dma_wait3A_231] : memref<2x128xi32, #tpu.memory_space<vmem>> -> memref<1x128xi32, #tpu.memory_space<vmem>>
        %dma_wait3A_233 = tpu.memref_squeeze %dma_wait3A_232 : memref<1x128xi32, #tpu.memory_space<vmem>> -> memref<128xi32, #tpu.memory_space<vmem>>
        %dma_wait3A_234 = arith.constant 0 : i32
        %dma_wait3A_235 = arith.constant 0 : i32
        %dma_wait3A_236 = tpu.memref_slice %arg16[%dma_wait3A_234, %dma_wait3A_235] : memref<8192x128xf32, #tpu.memory_space<vmem_shared>> -> memref<8192x128xf32, #tpu.memory_space<vmem_shared>>
        tpu.wait_indirect_dma semaphore(%run_scoped3A_217 : memref<!tpu.dma_semaphore, #tpu.memory_space<semaphore_mem>>) src(%dma_wait3A_230 : memref<128x128xf32, #tpu.memory_space<vmem>>) dst(%dma_wait3A_236 : memref<8192x128xf32, #tpu.memory_space<vmem_shared>>)
        tpu.yield
      }) : () -> ()
    } else {
    }
    %eq3A_108 = arith.constant 31 : i32
    %eq3A_109 = arith.cmpi eq, %add3A, %eq3A_108 : i32
    %convert_element_type3A_110 = arith.extui %eq3A_109 : i1 to i32
    %cond3A_111 = arith.constant 0 : i32
    %cond3A_112 = arith.cmpi ne, %convert_element_type3A_110, %cond3A_111 : i32
    scf.if %cond3A_112 {
      "tpu.region"() ({
        %run_scoped3A = tpu.sem_alloc : memref<!tpu.dma_semaphore, #tpu.memory_space<semaphore_mem>>
        %dma_start3A_125 = arith.constant 499968 : i32
        %dma_start3A_126 = arith.constant 0 : i32
        %dma_start3A_127 = tpu.memref_slice %arg2[%dma_start3A_125, %dma_start3A_126] : memref<500000x128xf32, #tpu.memory_space<hbm>> -> memref<32x128xf32, #tpu.memory_space<hbm>>
        %dma_start3A_128 = arith.constant 499968 : i32
        %dma_start3A_129 = arith.constant 0 : i32
        %dma_start3A_130 = tpu.memref_slice %arg2[%dma_start3A_128, %dma_start3A_129] : memref<500000x128xf32, #tpu.memory_space<hbm>> -> memref<32x128xf32, #tpu.memory_space<hbm>>
        tpu.enqueue_dma source(%dma_start3A_130 : memref<32x128xf32, #tpu.memory_space<hbm>>) target(%arg12 : memref<32x128xf32, #tpu.memory_space<vmem>>) target_semaphore(%run_scoped3A : memref<!tpu.dma_semaphore, #tpu.memory_space<semaphore_mem>>)
        %dma_wait3A = arith.constant 499968 : i32
        %dma_wait3A_131 = arith.constant 0 : i32
        %dma_wait3A_132 = tpu.memref_slice %arg2[%dma_wait3A, %dma_wait3A_131] : memref<500000x128xf32, #tpu.memory_space<hbm>> -> memref<32x128xf32, #tpu.memory_space<hbm>>
        %dma_wait3A_133 = arith.constant 499968 : i32
        %dma_wait3A_134 = arith.constant 0 : i32
        %dma_wait3A_135 = tpu.memref_slice %arg2[%dma_wait3A_133, %dma_wait3A_134] : memref<500000x128xf32, #tpu.memory_space<hbm>> -> memref<32x128xf32, #tpu.memory_space<hbm>>
        tpu.wait_dma2 semaphore(%run_scoped3A : memref<!tpu.dma_semaphore, #tpu.memory_space<semaphore_mem>>) src(%dma_wait3A_135 : memref<32x128xf32, #tpu.memory_space<hbm>>) dst(%arg12 : memref<32x128xf32, #tpu.memory_space<vmem>>)
        tpu.yield
      }) : () -> ()
      "tpu.region"() ({
        %run_scoped3A = tpu.sem_alloc : memref<!tpu.dma_semaphore, #tpu.memory_space<semaphore_mem>>
        %dma_start3A_125 = arith.constant 499968 : i32
        %dma_start3A_126 = tpu.memref_slice %arg3[%dma_start3A_125] : memref<500000xi32, #tpu.memory_space<hbm>> -> memref<32xi32, #tpu.memory_space<hbm>>
        %dma_start3A_127 = arith.constant 499968 : i32
        %dma_start3A_128 = tpu.memref_slice %arg3[%dma_start3A_127] : memref<500000xi32, #tpu.memory_space<hbm>> -> memref<32xi32, #tpu.memory_space<hbm>>
        tpu.enqueue_dma source(%dma_start3A_128 : memref<32xi32, #tpu.memory_space<hbm>>) target(%arg13 : memref<32xi32, #tpu.memory_space<vmem>>) target_semaphore(%run_scoped3A : memref<!tpu.dma_semaphore, #tpu.memory_space<semaphore_mem>>)
        %dma_wait3A = arith.constant 499968 : i32
        %dma_wait3A_129 = tpu.memref_slice %arg3[%dma_wait3A] : memref<500000xi32, #tpu.memory_space<hbm>> -> memref<32xi32, #tpu.memory_space<hbm>>
        %dma_wait3A_130 = arith.constant 499968 : i32
        %dma_wait3A_131 = tpu.memref_slice %arg3[%dma_wait3A_130] : memref<500000xi32, #tpu.memory_space<hbm>> -> memref<32xi32, #tpu.memory_space<hbm>>
        tpu.wait_dma2 semaphore(%run_scoped3A : memref<!tpu.dma_semaphore, #tpu.memory_space<semaphore_mem>>) src(%dma_wait3A_131 : memref<32xi32, #tpu.memory_space<hbm>>) dst(%arg13 : memref<32xi32, #tpu.memory_space<vmem>>)
        tpu.yield
      }) : () -> ()
      "tpu.region"() ({
        %run_scoped3A = tpu.sem_alloc : memref<!tpu.dma_semaphore, #tpu.memory_space<semaphore_mem>>
        %dma_start3A_125 = arith.constant 499968 : i32
        %dma_start3A_126 = tpu.memref_slice %arg4[%dma_start3A_125] : memref<500000xf32, #tpu.memory_space<hbm>> -> memref<32xf32, #tpu.memory_space<hbm>>
        %dma_start3A_127 = arith.constant 499968 : i32
        %dma_start3A_128 = tpu.memref_slice %arg4[%dma_start3A_127] : memref<500000xf32, #tpu.memory_space<hbm>> -> memref<32xf32, #tpu.memory_space<hbm>>
        tpu.enqueue_dma source(%dma_start3A_128 : memref<32xf32, #tpu.memory_space<hbm>>) target(%arg14 : memref<32xf32, #tpu.memory_space<vmem>>) target_semaphore(%run_scoped3A : memref<!tpu.dma_semaphore, #tpu.memory_space<semaphore_mem>>)
        %dma_wait3A = arith.constant 499968 : i32
        %dma_wait3A_129 = tpu.memref_slice %arg4[%dma_wait3A] : memref<500000xf32, #tpu.memory_space<hbm>> -> memref<32xf32, #tpu.memory_space<hbm>>
        %dma_wait3A_130 = arith.constant 499968 : i32
        %dma_wait3A_131 = tpu.memref_slice %arg4[%dma_wait3A_130] : memref<500000xf32, #tpu.memory_space<hbm>> -> memref<32xf32, #tpu.memory_space<hbm>>
        tpu.wait_dma2 semaphore(%run_scoped3A : memref<!tpu.dma_semaphore, #tpu.memory_space<semaphore_mem>>) src(%dma_wait3A_131 : memref<32xf32, #tpu.memory_space<hbm>>) dst(%arg14 : memref<32xf32, #tpu.memory_space<vmem>>)
        tpu.yield
      }) : () -> ()
      %get3A = arith.constant 0 : index
      %get3A_118 = tpu.vector_load %arg13[%get3A] {strides = array<i32>} : memref<32xi32, #tpu.memory_space<vmem>>, vector<16xi32>,
      %get3A_119 = arith.constant 0 : index
      %get3A_120 = tpu.vector_load %arg14[%get3A_119] {strides = array<i32>} : memref<32xf32, #tpu.memory_space<vmem>>, vector<16xf32>,
      tpu.vector_store_idx %arg15[%get3A_118], %get3A_120 {add = true} : memref<8192xf32, #tpu.memory_space<vmem>>[vector<16xi32>], vector<16xf32>,
      %get3A_121 = arith.constant 16 : index
      %get3A_122 = tpu.vector_load %arg13[%get3A_121] {strides = array<i32>} : memref<32xi32, #tpu.memory_space<vmem>>, vector<16xi32>,
      %get3A_123 = arith.constant 16 : index
      %get3A_124 = tpu.vector_load %arg14[%get3A_123] {strides = array<i32>} : memref<32xf32, #tpu.memory_space<vmem>>, vector<16xf32>,
      tpu.vector_store_idx %arg15[%get3A_122], %get3A_124 {add = true} : memref<8192xf32, #tpu.memory_space<vmem>>[vector<16xi32>], vector<16xf32>,
      "tpu.region"() ({
        %run_scoped3A = tpu.sem_alloc : memref<!tpu.dma_semaphore, #tpu.memory_space<semaphore_mem>>
        %dma_start3A_125 = arith.constant 0 : i32
        %dma_start3A_126 = arith.constant 0 : i32
        %dma_start3A_127 = tpu.memref_slice %arg16[%dma_start3A_125, %dma_start3A_126] : memref<8192x128xf32, #tpu.memory_space<vmem_shared>> -> memref<8192x128xf32, #tpu.memory_space<vmem_shared>>
        tpu.enqueue_indirect_dma source(%arg12 : memref<32x128xf32, #tpu.memory_space<vmem>>) target(%dma_start3A_127 : memref<8192x128xf32, #tpu.memory_space<vmem_shared>>) offsets(%arg13 : memref<32xi32, #tpu.memory_space<vmem>>) semaphore(%run_scoped3A : memref<!tpu.dma_semaphore, #tpu.memory_space<semaphore_mem>>) {add = true}
        %dma_wait3A = arith.constant 0 : i32
        %dma_wait3A_128 = arith.constant 0 : i32
        %dma_wait3A_129 = tpu.memref_slice %arg16[%dma_wait3A, %dma_wait3A_128] : memref<8192x128xf32, #tpu.memory_space<vmem_shared>> -> memref<8192x128xf32, #tpu.memory_space<vmem_shared>>
        tpu.wait_indirect_dma semaphore(%run_scoped3A : memref<!tpu.dma_semaphore, #tpu.memory_space<semaphore_mem>>) src(%arg12 : memref<32x128xf32, #tpu.memory_space<vmem>>) dst(%dma_wait3A_129 : memref<8192x128xf32, #tpu.memory_space<vmem_shared>>)
        tpu.yield
      }) : () -> ()
    } else {
    }
    %barrier3A_113 = arith.constant 0 : index
    tpu.barrier barrier_id(%barrier3A_113)
    "tpu.region"() ({
      %run_scoped3A = tpu.sem_alloc : memref<!tpu.dma_semaphore, #tpu.memory_space<semaphore_mem>>
      %dma_start3A_118 = arith.constant 0 : i32
      %dma_start3A_119 = tpu.memref_slice %arg8[%add3A, %dma_start3A_118] : memref<32x8192xf32, #tpu.memory_space<hbm>> -> memref<1x8192xf32, #tpu.memory_space<hbm>>
      %dma_start3A_120 = tpu.memref_squeeze %dma_start3A_119 : memref<1x8192xf32, #tpu.memory_space<hbm>> -> memref<8192xf32, #tpu.memory_space<hbm>>
      %dma_start3A_121 = arith.constant 0 : i32
      %dma_start3A_122 = tpu.memref_slice %arg8[%add3A, %dma_start3A_121] : memref<32x8192xf32, #tpu.memory_space<hbm>> -> memref<1x8192xf32, #tpu.memory_space<hbm>>
      %dma_start3A_123 = tpu.memref_squeeze %dma_start3A_122 : memref<1x8192xf32, #tpu.memory_space<hbm>> -> memref<8192xf32, #tpu.memory_space<hbm>>
      tpu.enqueue_dma source(%arg15 : memref<8192xf32, #tpu.memory_space<vmem>>) target(%dma_start3A_123 : memref<8192xf32, #tpu.memory_space<hbm>>) target_semaphore(%run_scoped3A : memref<!tpu.dma_semaphore, #tpu.memory_space<semaphore_mem>>)
      %dma_wait3A = arith.constant 0 : i32
      %dma_wait3A_124 = tpu.memref_slice %arg8[%add3A, %dma_wait3A] : memref<32x8192xf32, #tpu.memory_space<hbm>> -> memref<1x8192xf32, #tpu.memory_space<hbm>>
      %dma_wait3A_125 = tpu.memref_squeeze %dma_wait3A_124 : memref<1x8192xf32, #tpu.memory_space<hbm>> -> memref<8192xf32, #tpu.memory_space<hbm>>
      %dma_wait3A_126 = arith.constant 0 : i32
      %dma_wait3A_127 = tpu.memref_slice %arg8[%add3A, %dma_wait3A_126] : memref<32x8192xf32, #tpu.memory_space<hbm>> -> memref<1x8192xf32, #tpu.memory_space<hbm>>
      %dma_wait3A_128 = tpu.memref_squeeze %dma_wait3A_127 : memref<1x8192xf32, #tpu.memory_space<hbm>> -> memref<8192xf32, #tpu.memory_space<hbm>>
      tpu.wait_dma2 semaphore(%run_scoped3A : memref<!tpu.dma_semaphore, #tpu.memory_space<semaphore_mem>>) src(%arg15 : memref<8192xf32, #tpu.memory_space<vmem>>) dst(%dma_wait3A_128 : memref<8192xf32, #tpu.memory_space<hbm>>)
      tpu.yield
    }) : () -> ()
    %mul3A_114 = arith.constant 512 : i32
    %mul3A_115 = arith.muli %arg1, %mul3A_114 : i32
    %mul3A_116 = arith.constant 512 : i32
    %mul3A_117 = arith.muli %arg1, %mul3A_116 : i32
    "tpu.region"() ({
      %run_scoped3A = tpu.sem_alloc : memref<!tpu.dma_semaphore, #tpu.memory_space<semaphore_mem>>
      %dma_start3A_118 = arith.constant 0 : i32
      %dma_start3A_119 = arith.constant 0 : i32
      %dma_start3A_120 = tpu.memref_slice %arg7[%arg0, %dma_start3A_118, %dma_start3A_119] : memref<2x8192x128xf32, #tpu.memory_space<hbm>> -> memref<1x8192x128xf32, #tpu.memory_space<hbm>>
      %dma_start3A_121 = tpu.memref_squeeze %dma_start3A_120 : memref<1x8192x128xf32, #tpu.memory_space<hbm>> -> memref<8192x128xf32, #tpu.memory_space<hbm>>
      %dma_start3A_122 = arith.constant 0 : i32
      %dma_start3A_123 = tpu.memref_slice %dma_start3A_121[%mul3A_117, %dma_start3A_122] : memref<8192x128xf32, #tpu.memory_space<hbm>> -> memref<512x128xf32, #tpu.memory_space<hbm>>
      %dma_start3A_124 = arith.constant 0 : i32
      %dma_start3A_125 = tpu.memref_slice %arg16[%mul3A_115, %dma_start3A_124] : memref<8192x128xf32, #tpu.memory_space<vmem_shared>> -> memref<512x128xf32, #tpu.memory_space<vmem_shared>>
      tpu.enqueue_dma source(%dma_start3A_125 : memref<512x128xf32, #tpu.memory_space<vmem_shared>>) target(%dma_start3A_123 : memref<512x128xf32, #tpu.memory_space<hbm>>) target_semaphore(%run_scoped3A : memref<!tpu.dma_semaphore, #tpu.memory_space<semaphore_mem>>)
      %dma_wait3A = arith.constant 0 : i32
      %dma_wait3A_126 = arith.constant 0 : i32
      %dma_wait3A_127 = tpu.memref_slice %arg7[%arg0, %dma_wait3A, %dma_wait3A_126] : memref<2x8192x128xf32, #tpu.memory_space<hbm>> -> memref<1x8192x128xf32, #tpu.memory_space<hbm>>
      %dma_wait3A_128 = tpu.memref_squeeze %dma_wait3A_127 : memref<1x8192x128xf32, #tpu.memory_space<hbm>> -> memref<8192x128xf32, #tpu.memory_space<hbm>>
      %dma_wait3A_129 = arith.constant 0 : i32
      %dma_wait3A_130 = tpu.memref_slice %dma_wait3A_128[%mul3A_117, %dma_wait3A_129] : memref<8192x128xf32, #tpu.memory_space<hbm>> -> memref<512x128xf32, #tpu.memory_space<hbm>>
      %dma_wait3A_131 = arith.constant 0 : i32
      %dma_wait3A_132 = tpu.memref_slice %arg16[%mul3A_115, %dma_wait3A_131] : memref<8192x128xf32, #tpu.memory_space<vmem_shared>> -> memref<512x128xf32, #tpu.memory_space<vmem_shared>>
      tpu.wait_dma2 semaphore(%run_scoped3A : memref<!tpu.dma_semaphore, #tpu.memory_space<semaphore_mem>>) src(%dma_wait3A_132 : memref<512x128xf32, #tpu.memory_space<vmem_shared>>) dst(%dma_wait3A_130 : memref<512x128xf32, #tpu.memory_space<hbm>>)
      tpu.yield
    }) : () -> ()
    return
  }
}

</mosaic_0001>

<sc_bundles>
// kernel: _sc_segsum_impl.3.cloned.1.call-start
scs
__scs_entry_jumppad:
0x0: {  	(pc) =	sbr.rel $0x88, $3  }
0x1: {  	(tag) =	ssettag $0x0;
	lr =	simm.s32 $0x1  }
0x2: {  	[smem:$0x3F9C] =	sst lr;
	_ =	strace $0xD0000000  }
0x3: {  	_ = 	snop  }
0x4: {  	_ = 	snop  }
0x5: {  	_ = 	snop  }
0x6: {  	_ = 	snop  }
0x7: {  	_ = 	snop  }
__scs_overlays_trampoline_lowered:
0x8: {  	[smem:$0x3FAB] =	sst s0  }
0x9: {  	[smem:$0x3FAC] =	sst s1  }
0xa: {  	[smem:$0x3FAD] =	sst s2  }
0xb: {  	[smem:$0x3FAE] =	sst s3  }
0xc: {  	[smem:$0x3FAF] =	sst s4  }
0xd: {  	[smem:$0x3FB0] =	sst s5  }
0xe: {  	[smem:$0x3FB1] =	sst s6  }
0xf: {  	[smem:$0x3FB2] =	sst s7  }
0x10: {  	[smem:$0x3FB3] =	sst s8  }
0x11: {  	[smem:$0x3FB4] =	sst s9;
	s0 =	simm.s32 @!p0 $0x0  }
0x12: {  	s1 =	sld [smem:$0x3F9A];
	s0 =	simm.s32 @p0 $0x1  }
0x13: {  	[smem:$0x3FB5] =	sst s0;
	s0 =	simm.s32 @!p1 $0x0  }
0x14: {  	s2 =	sld [smem:$0x3F99];
	s0 =	simm.s32 @p1 $0x1  }
0x15: {  	[smem:$0x3FB6] =	sst s0;
	s0 =	simm.s32 @!p2 $0x0  }
0x16: {  	s3 =	sld [smem:$0x3FDB];
	s0 =	simm.s32 @p2 $0x1  }
0x17: {  	s4 =	simm.s32 $0x1BF5;
	[smem:$0x3FB8] =	sst s0  }
0x18: {  	s0 =	sld [smem:$0x3F9B];
	_ =	swait.ge [sflag:s4], $0x0  }
0x19: {  	s7 =	sld [smem:$0x3F9C]  }
0x1a: {  	s8 =	sadd.s32 $0xFFFFE003, lr  }
0x1b: {  	s9 =	sadd.s32 $0xFFFFFEF7, lr;
	s5 =	simm.s32 $0xFFFFFFFF;
	p2 =	slt.u32 s8, $0xFFFFF086  }
0x1c: {  	p1 =	slt.u32 s9, $0xF7A;
	s5 =	simm.s32 @!p2 $0x0  }
0x1d: {  	s5 =	simm.s32 @p1 $0x1;
	p0 =	seq.s32 s7, s2  }
0x1e: {  	s7 =	smul.u32 @!p0 $0xF7A, s2;
	p2 =	seq.s32 @!p0 s5, $0x0  }
0x1f: {  	s9 =	smul.u32 $0xF7A, s1;
	s8 =	simm.s32 @!p0 $0x1BF5;
	p2 =	por !p2, p0  }
0x20: {  	[sflag:s8] =	ssyncset.s32 @!p0 $0xFFFFF086;
	s6 =	sadd.s32 @!p0 s3, s7;
	s7 =	simm.s32 @!p0 $0x108  }
0x21: {  	s3 =	sadd.s32 s3, s9;
	s6 =	sadd.s32 @!p0 $0x88, s6;
	s7 =	simm.s32 @p2 $0x1082  }
0x22: {  	[simem:s7], [sflag:s8] =	dma.local @!p0 [hbm:s6], $0xF7A  }
0x23: {  	s9 =	sor.u32 $0xD0000000, s2;
	s6 =	simm.s32 $0x108;
	_ =	swait.ge @!p0 [sflag:s8], $0x0  }
0x24: {  	s3 =	sadd.s32 $0x88, s3;
	s6 =	simm.s32 @!p1 $0x1082;
	[sflag:s4] =	ssyncset.s32 $0xFFFFF086  }
0x25: {  	[simem:s6], [sflag:s4] =	dma.local [hbm:s3], $0xF7A  }
0x26: {  	[smem:$0x3F9C] =	sst s1;
	(tag) =	ssettag s2;
	_ =	strace s9  }
0x27: {  	s1 =	sld [smem:$0x3FAC]  }
0x28: {  	s2 =	sld [smem:$0x3FAD]  }
0x29: {  	s4 =	sld [smem:$0x3FAF]  }
0x2a: {  	p0 =	seq.s32 s5, $0x0;
	s5 =	sld [smem:$0x3FB0]  }
0x2b: {  	s6 =	sld [smem:$0x3FB1]  }
0x2c: {  	s7 =	sld [smem:$0x3FB2]  }
0x2d: {  	s3 =	simm.s32 $0x108;
	s8 =	sld [smem:$0x3FB3]  }
0x2e: {  	s3 =	simm.s32 @!p0 $0x1082;
	s9 =	sld [smem:$0x3FB4]  }
0x2f: {  	lr =	sadd.s32 s0, s3;
	s0 =	sld [smem:$0x3FAB]  }
0x30: {  	s3 =	sld [smem:$0x3FAE]  }
0x31: {  	[smem:$0x3FB7] =	sst s10  }
0x32: {  	s10 =	sld [smem:$0x3FB5];
	_ =	sdelay $0x3  }
0x33: {  	p0 =	seq.s32 s10, $0x1;
	s10 =	sld [smem:$0x3FB7];
	_ =	sdelay $0x3  }
0x34: {  	[smem:$0x3FB7] =	sst s10  }
0x35: {  	s10 =	sld [smem:$0x3FB6];
	_ =	sdelay $0x3  }
0x36: {  	p1 =	seq.s32 s10, $0x1;
	s10 =	sld [smem:$0x3FB7];
	_ =	sdelay $0x3  }
0x37: {  	[smem:$0x3FB7] =	sst s10  }
0x38: {  	s10 =	sld [smem:$0x3FB8]  }
0x39: {  	_ = 	snop;
	(pc) =	sbr.ind lr, $3  }
0x3a: {  	_ = 	snop  }
0x3b: {  	_ = 	snop  }
0x3c: {  	p2 =	seq.s32 s10, $0x1;
	s10 =	sld [smem:$0x3FB7]  }
0x3d: {  	_ =	shalt  }
0x3e: {  	_ =	shalt  }
0x3f: {  	_ =	shalt  }
0x40: {  	_ =	shalt  }
0x41: {  	_ =	shalt  }
0x42: {  	_ =	shalt  }
0x43: {  	_ =	shalt  }
0x44: {  	_ =	shalt  }
0x45: {  	_ =	shalt  }
0x46: {  	_ =	shalt  }
0x47: {  	_ =	shalt  }
0x48: {  	_ =	shalt  }
0x49: {  	_ =	shalt  }
0x4a: {  	_ =	shalt  }
0x4b: {  	_ =	shalt  }
0x4c: {  	_ =	shalt  }
0x4d: {  	_ =	shalt  }
0x4e: {  	_ =	shalt  }
0x4f: {  	_ =	shalt  }
0x50: {  	_ =	shalt  }
0x51: {  	_ =	shalt  }
0x52: {  	_ =	shalt  }
0x53: {  	_ =	shalt  }
0x54: {  	_ =	shalt  }
0x55: {  	_ =	shalt  }
0x56: {  	_ =	shalt  }
0x57: {  	_ =	shalt  }
0x58: {  	_ =	shalt  }
0x59: {  	_ =	shalt  }
0x5a: {  	_ =	shalt  }
0x5b: {  	_ =	shalt  }
0x5c: {  	_ =	shalt  }
0x5d: {  	_ =	shalt  }
0x5e: {  	_ =	shalt  }
0x5f: {  	_ =	shalt  }
0x60: {  	_ =	shalt  }
0x61: {  	_ =	shalt  }
0x62: {  	_ =	shalt  }
0x63: {  	_ =	shalt  }
0x64: {  	_ =	shalt  }
0x65: {  	_ =	shalt  }
0x66: {  	_ =	shalt  }
0x67: {  	_ =	shalt  }
0x68: {  	_ =	shalt  }
0x69: {  	_ =	shalt  }
0x6a: {  	_ =	shalt  }
0x6b: {  	_ =	shalt  }
0x6c: {  	_ =	shalt  }
0x6d: {  	_ =	shalt  }
0x6e: {  	_ =	shalt  }
0x6f: {  	_ =	shalt  }
0x70: {  	_ =	shalt  }
0x71: {  	_ =	shalt  }
0x72: {  	_ =	shalt  }
0x73: {  	_ =	shalt  }
0x74: {  	_ =	shalt  }
0x75: {  	_ =	shalt  }
0x76: {  	_ =	shalt  }
0x77: {  	_ =	shalt  }
0x78: {  	_ =	shalt  }
0x79: {  	_ =	shalt  }
0x7a: {  	_ =	shalt  }
0x7b: {  	_ =	shalt  }
0x7c: {  	_ =	shalt  }
0x7d: {  	_ =	shalt  }
0x7e: {  	_ =	shalt  }
0x7f: {  	_ =	shalt  }
0x80: {  	_ =	shalt  }
0x81: {  	_ =	shalt  }
0x82: {  	_ =	shalt  }
0x83: {  	_ =	shalt  }
0x84: {  	_ =	shalt  }
0x85: {  	_ =	shalt  }
0x86: {  	_ =	shalt  }
0x87: {  	_ =	shalt  }
.Lfunc_end0:
.L_simem_size_0:
called_computation_lowered:
.L_overlay_start_0:
0x88: {  	s2 =	sld [smem:$0x3FD9]  }
0x89: {  	s3 =	sld [smem:$0x3FFE];
	_ =	sdelay $0x1  }
0x8a: {  	s1 =	srdreg.scid  }
0x8b: {  	s0 =	sand.u32 $0x1, s1  }
0x8c: {  	s15 =	sshll.u32 s0, $0xA;
	s2 =	sadd.s32 s3, s2  }
0x8d: {  	s2 =	sadd.s32 s2, s15  }
0x8e: {  	[smem:$0x3FC3] =	sst s2  }
0x8f: {  	_ = 	snop  }
0x90: {  	s2 =	sld [smem:$0x3FC9]  }
0x91: {  	s16 =	sld [smem:$0x3FC8]  }
0x92: {  	s4 =	sld [smem:$0x3FD0]  }
0x93: {  	s5 =	sld [smem:$0x3FC7]  }
0x94: {  	s6 =	sld [smem:$0x3FC6]  }
0x95: {  	s8 =	simm.s32 $0xA;
	s9 =	simm.s32 $0x10;
	s7 =	sld [smem:$0x3FC5]  }
0x96: {  	[smem:s9], [sflag:s8] =	dma.local [hbm:s4], $0x1  }
0x97: {  	_ =	swait.eq [sflag:s8], $0x1  }
0x98: {  	[sflag:s8] =	ssyncset.done $0x0  }
0x99: {  	s17 =	sld [smem:$0x10];
	[sflag:s8] =	ssyncadd.s32 $0xFFFFFFFF  }
0x9a: {  	s18 =	sld [smem:$0x11];
	(tm) =	ssettm $0x1  }
0x9b: {  	s19 =	sld [smem:$0x3FFB];
	_ =	sdelay $0x3  }
0x9c: {  	_ =	strace s19  }
0x9d: {  	s9 =	sld [smem:$0x3FFC];
	_ =	sdelay $0x3  }
0x9e: {  	_ =	strace s9  }
0x9f: {  	s9 =	sld [smem:$0x3FFD];
	_ =	sdelay $0x3  }
0xa0: {  	_ =	strace s9  }
0xa1: {  	_ =	strace $0x8FFFFFFF  }
0xa2: {  	s20 =	sld [smem:$0x3FDB];
	_ =	sdelay $0x1  }
0xa3: {  	s10 =	simm.s32 $_scs_section_size  }
0xa4: {  	s11 =	simm.s32 $_size__tile_overlayer_lowered;
	s12 =	simm.s32 $_tile_overlayer_lowered  }
0xa5: {  	s23 =	simm.s32 $0x1BFF;
	s22 =	sshll.u32 s12, $0x1;
	s9 =	sadd.s32 s10, s20  }
0xa6: {  	s13 =	simm.s32 $0x0;
	s21 =	sshll.u32 s11, $0x1;
	s11 =	sadd.s32 s22, s9  }
0xa7: {  	[timem:s13], [sflag:s23] =	dma.local [hbm:s11], s21  }
0xa8: {  	_ =	swait.ge [sflag:s23], s21  }
0xa9: {  	s10 =	ssub.s32 $0x0, s21;
	[sflag:s23] =	ssyncset.done $0x0  }
0xaa: {  	[sflag:s23] =	ssyncadd.s32 s10;
	_ =	sdelay $0x1  }
0xab: {  	s24 =	simm.s32 $0x1B8B  }
0xac: {  	_ =	swait.ge [sflag:s24], $0x1  }
0xad: {  	[sflag:s24] =	ssyncset.done $0x0  }
0xae: {  	s25 =	simm.s32 $0x1B8E;
	[sflag:s24] =	ssyncadd.s32 $0xFFFFFFFF  }
0xaf: {  	s26 =	simm.s32 $execute0_lowered;
	[smem:$0x3FD2] =	sst s25  }
0xb0: {  	s10 =	sshll.u32 s26, $0x1;
	_ =	strace $0x80000046;
	[dreg:$0x1] =	wrdreg $0xFFFFFFFF  }
0xb1: {  	s28 =	simm.s32 $_size_execute0_lowered;
	s9 =	sadd.s32 s9, s10;
	[dreg:$0x0] =	wrdreg $0x0  }
0xb2: {  	s10 =	sshll.u32 s28, $0x1;
	[dreg:$0x2] =	wrdreg s9  }
0xb3: {  	[dreg:$0x3] =	wrdreg s10  }
0xb4: {  	[dreg:$0x4] =	wrdreg $0xC0  }
0xb5: {  	_ =	task [dreg:s13], $0x5FFFF  }
0xb6: {  	[dreg:$0x1] =	wrdreg $0xFFFFFFFF  }
0xb7: {  	[dreg:$0x0] =	wrdreg $0x60  }
0xb8: {  	[dreg:$0x2] =	wrdreg s2  }
0xb9: {  	[dreg:$0x3] =	wrdreg s16  }
0xba: {  	[dreg:$0x4] =	wrdreg s5  }
0xbb: {  	[dreg:$0x5] =	wrdreg s6  }
0xbc: {  	[dreg:$0x6] =	wrdreg s7  }
0xbd: {  	[dreg:$0x7] =	wrdreg s17  }
0xbe: {  	[dreg:$0x8] =	wrdreg s18  }
0xbf: {  	[dreg:$0x9] =	wrdreg $0xB3000  }
0xc0: {  	[dreg:$0xa] =	wrdreg $0x9  }
0xc1: {  	_ =	task.clear_ibuf [dreg:s13], $0xBFFFF;
	_ =	strace $0x90000046  }
0xc2: {  	s29 =	simm.s32 $0x9;
	_ =	strace $0x80000048  }
0xc3: {  	_ =	swait.ge [sflag:s29], $0x1  }
0xc4: {  	[sflag:s29] =	ssyncadd.s32 $0xFFFFFFFF  }
0xc5: {  	_ =	strace $0x90000048  }
0xc6: {  	_ =	sfence  }
0xc7: {  	s30 =	sld [smem:$0x0];
	_ =	sdelay $0x2  }
0xc8: {  	s31 =	sshll.u32 s1, $0xD;
	s1 =	sshrl.u32 s1, $0x2  }
0xc9: {  	s3 =	sand.u32 $0x4000, s31;
	s1 =	sadd.s32 s1, s30  }
0xca: {  	s0 =	sor.u32 s3, s0;
	s1 =	sshll.u32 s1, $0x11  }
0xcb: {  	s0 =	sor.u32 s1, s0  }
0xcc: {  	s0 =	sadd.s32 $0x8F2B, s0  }
0xcd: {  	[sflag:s0] =	ssyncadd.remote.s32 $0x1  }
0xce: {  	_ =	sfence.sel $0xFFFF  }
0xcf: {  	[dreg:$0x0] =	wrdreg $0xFFFFFFFF;
	(pc) =	sbr.abs _section_cstart, $3  }
0xd0: {  	[dreg:$0x1] =	wrdreg $0xFFFFFFFF  }
0xd1: {  	_ =	task.clear_ibuf [dreg:s13], $0x2FFFF;
	_ =	strace $0x9FFFFFFF  }
0xd2: {  	(tm) =	ssettm $0x7FFFFFFF  }
0xd3: {  	_ =	shalt  }
tec
execute0_lowered:
.L_overlay_start_1:
0x0: {  	(tag) =	ssettag $0x1  }
0x1: {  	s2 =	rddreg [dreg:$0x0]  }
0x2: {  	s0 =	rddreg [dreg:$0x1]  }
0x3: {  	s1 =	rddreg [dreg:$0x2]  }
0x4: {  	s3 =	rddreg [dreg:$0x3]  }
0x5: {  	s5 =	rddreg [dreg:$0x5]  }
0x6: {  	s7 =	rddreg [dreg:$0x6]  }
0x7: {  	s4 =	rddreg [dreg:$0x7];
	s8 =	srdreg.scid  }
0x8: {  	s6 =	simm.s32 $0x0;
	s16 =	stileid.u32;
	s28 =	simm.s32 $0x8080  }
0x9: {  	s29 =	simm.s32 $0x3;
	s30 =	simm.s32 $0x5;
	s31 =	simm.s32 $0x80  }
0xa: {  	s8 =	sand.u32 $0x1, s8;
	[smem:$0x7FF] =	sst s6;
	s12 =	sshll.u32 s16, $0x10  }
0xb: {  	s14 =	sshll.u32 s16, $0xD;
	s24 =	sshll.u32 s16, $0x6;
	s9 =	sshll.u32 s8, $0x4  }
0xc: {  	s20 =	sshll.u32 s16, $0x4;
	_ =	strace $0x80000047;
	s11 =	sor.u32 s16, s9  }
0xd: {  	s10 =	ssub.s32 $0x2, s8;
	s22 =	sadd.s32 s12, s4;
	s13 =	smul.u32 $0x3D000, s11  }
0xe: {  	s3 =	sadd.s32 s3, s14;
	[dreg:$0x9] =	wrdreg s22;
	s23 =	smul.u32 $0x3D00, s11  }
0xf: {  	s21 =	sshrl.u32 s10, $0x1;
	[dreg:$0xa] =	wrdreg s3;
	s15 =	smul.u32 $0x7A0, s11  }
0x10: {  	s9 =	sor.u32 $0x1C07, s24;
	s10 =	ssub.s32 s10, s21;
	s21 =	smul.u32 $0x3D0000, s8  }
0x11: {  	s22 =	sshll.u32 s8, $0x11;
	s19 =	sshll.u32 s11, $0xA;
	s8 =	smul.u32 $0x3D000, s8  }
0x12: {  	s5 =	sadd.s32 s5, s22;
	p0 =	seq.s32 s11, $0x1;
	s22 =	sadd.s32 $0xF420, s1  }
0x13: {  	p1 =	seq.s32 s11, $0x1F;
	p2 =	sne.s32 @!p0 s11, $0x0;
	[dreg:$0x19] =	wrdreg s22  }
0x14: {  	s25 =	sor.u32 $0x80, s23;
	s26 =	sadd.s32 s2, s13;
	s13 =	sadd.s32 s0, s15  }
0x15: {  	s18 =	sadd.s32 s1, s15;
	s23 =	smul.u32 $0x3D00, s16;
	[dreg:$0xb] =	wrdreg s26  }
0x16: {  	s15 =	sadd.s32 $0x7A0800, s2;
	p2 =	por p2, p0;
	[dreg:$0xc] =	wrdreg s13  }
0x17: {  	s17 =	sshll.u32 s25, $0x4;
	[dreg:$0xd] =	wrdreg s18;
	s3 =	sshrl.u32 s25, $0x3  }
0x18: {  	s13 =	sand.u32 $0x70, s20;
	s26 =	sadd.s32 $0x7A1000, s2;
	[dreg:$0x13] =	wrdreg s15  }
0x19: {  	s25 =	sadd.s32 s21, s2;
	s18 =	sadd.s32 s14, s5;
	[dreg:$0x12] =	wrdreg s26  }
0x1a: {  	s21 =	sadd.s32 $0xF420, s0;
	s5 =	simm.s32 $0x7;
	[dreg:$0x16] =	wrdreg s18  }
0x1b: {  	s12 =	sadd.s32 s2, s17;
	s17 =	smul.u32 $0x3D000, s16;
	[dreg:$0x18] =	wrdreg s21  }
0x1c: {  	s7 =	sadd.s32 s7, s13;
	s24 =	sadd.s32 s0, s3;
	[dreg:$0xe] =	wrdreg s12  }
0x1d: {  	s3 =	sadd.s32 s1, s3;
	s2 =	sadd.s32 $0x7A0000, s2;
	[dreg:$0x10] =	wrdreg s24  }
0x1e: {  	s16 =	smax.u32 s10, $0x1;
	s26 =	sadd.s32 $0xF400, s1;
	[dreg:$0x11] =	wrdreg s3  }
0x1f: {  	s18 =	simm.s32 $0x9300;
	s10 =	simm.s32 $0x0;
	[dreg:$0x14] =	wrdreg s2  }
0x20: {  	s12 =	sand.u32 $0x6000, s19;
	[dreg:$0x15] =	wrdreg s16;
	s24 =	sadd.s32 $0xF410, s1  }
0x21: {  	[dreg:$0x1d] =	wrdreg s26;
	s26 =	simm.s32 $0x8000;
	s3 =	simm.s32 $0x4000  }
0x22: {  	s7 =	sadd.s32 s12, s7;
	s17 =	sadd.s32 s17, s25;
	s12 =	sadd.s32 s23, s8  }
0x23: {  	s23 =	sadd.s32 $0xF410, s0;
	[dreg:$0x1b] =	wrdreg s24;
	s25 =	sadd.s32 $0xF400, s0  }
.Ltmp0:
0x24: {  	s8 =	simm.s32 $0x6;
	[dreg:$0xf] =	wrdreg s7;
	(pc) =	sbr.rel .LBB2_1-.Ltmp0, $4  }
0x25: {  	s19 =	sadd.s32 $0x180, s12;
	s12 =	sadd.s32 $0x100, s12;
	[dreg:$0x1a] =	wrdreg s23  }
0x26: {  	[dreg:$0x1c] =	wrdreg s25;
	s7 =	simm.s32 $0x4;
	s2 =	sshrl.u32 s19, $0x3  }
0x27: {  	s19 =	simm.s32 $0x8180;
	s20 =	sadd.s32 s2, s1;
	s13 =	sadd.s32 s2, s0  }
0x28: {  	s2 =	simm.s32 $0x2;
	[dreg:$0x17] =	wrdreg s20;
	s20 =	simm.s32 $0x1  }
.LBB2_6:
0x29: {  	s14 =	rddreg [dreg:$0x12];
	s15 =	simm.s32 $0x8200  }
0x2a: {  	[tilespmem:s15], [sflag:$0x7] =	stream.linear.gather [hbm4b:s14+s6], $0x1000, $0x38;
	[tilespmem:$0x1B300] =	vst v63  }
0x2b: {  	_ =	swait.ge [sflag:s5], $0x1000  }
0x2c: {  	[sflag:s5] =	ssyncset.done $0x0  }
0x2d: {  	s16 =	simm.s32 $0x9200;
	s23 =	rddreg [dreg:$0x18];
	[sflag:s5] =	ssyncadd.s32 $0xFFFFF000  }
0x2e: {  	[tilespmem:s16], [sflag:$0x7] =	stream.linear.gather [hbm4b:s23+s6], $0x20, $0x38;
	[tilespmem:$0x1B300] =	vst v63  }
0x2f: {  	_ =	swait.ge [sflag:s5], $0x20  }
0x30: {  	[sflag:s5] =	ssyncset.done $0x0  }
0x31: {  	s21 =	simm.s32 $0x9280;
	s24 =	rddreg [dreg:$0x19];
	[sflag:s5] =	ssyncadd.s32 $0xFFFFFFE0  }
0x32: {  	[tilespmem:s21], [sflag:$0x7] =	stream.linear.gather [hbm4b:s24+s6], $0x20, $0x38;
	[tilespmem:$0x1B300] =	vst v63  }
0x33: {  	_ =	swait.ge [sflag:s5], $0x20  }
0x34: {  	[sflag:s5] =	ssyncset.done $0x0  }
0x35: {  	[sflag:s5] =	ssyncadd.s32 $0xFFFFFFE0  }
0x36: {  	v0 =	vld [tilespmem:$0x9200];
	_ =	sdelay $0x2  }
0x37: {  	v1 =	vld [tilespmem:$0x9280];
	_ =	sdelay $0x4  }
0x38: {  	[tilespmem:v0+s18+$0x0] =	vst.idx.add.f32.msk $0xffff, v1  }
0x39: {  	v0 =	vld [tilespmem:$0x9210];
	_ =	sdelay $0x2  }
0x3a: {  	v1 =	vld [tilespmem:$0x9290];
	_ =	sdelay $0x4  }
0x3b: {  	s25 =	simm.s32 $0x20;
	[tilespmem:v0+s18+$0x0] =	vst.idx.add.f32.msk $0xffff, v1  }
0x3c: {  	[spmem:s4] =	stream.indirect.scatter.add.f32 [tilespmem:s15], [sflag:$0x7], $0x80, s16, s25, $0xb8;
	[tilespmem:$0x1B300] =	vst v63  }
0x3d: {  	_ =	swait.ge [sflag:s5], $0x1000  }
0x3e: {  	[sflag:s5] =	ssyncset.done $0x0  }
0x3f: {  	[sflag:s5] =	ssyncadd.s32 $0xFFFFF000  }
.LBB2_7:
0x40: {  	[bflag:$0x0] =	sbarrier.arrive $0xFFFF  }
0x41: {  	s15 =	simm.s32 $0x400;
	s14 =	rddreg [dreg:$0xf]  }
0x42: {  	[hbm4b:s14+s31] =	stream.strided.scatter [tilespmem:s18], [sflag:$0x7], $0x2000, s15, s31, $0x38;
	[tilespmem:$0x1B300] =	vst v63  }
0x43: {  	_ =	swait.ge [sflag:s5], $0x2000  }
0x44: {  	[sflag:s5] =	ssyncset.done $0x0  }
0x45: {  	s24 =	rddreg [dreg:$0x16];
	[sflag:s5] =	ssyncadd.s32 $0xFFFFE000  }
0x46: {  	[hbm:s24], [sflag:s9] =	dma.local [spmem:s11], $0x2000  }
0x47: {  	_ =	swait.ge [sflag:s5], $0x2000  }
0x48: {  	s10 =	sadd.s32 $0x1, s10;
	s25 =	rddreg [dreg:$0x15]  }
0x49: {  	p3 =	sne.s32 s10, s25  }
.Ltmp1:
0x4a: {  	_ = 	snop;
	(pc) =	sbr.rel @!p3 .LBB2_8-.Ltmp1, $3  }
0x4b: {  	_ =	sdelay $0x1  }
0x4c: {  	[sflag:s5] =	ssyncset.done $0x0  }
0x4d: {  	[sflag:s5] =	ssyncadd.s32 $0xFFFFE000  }
.LBB2_1:
0x4e: {  	s11 =	rddreg [dreg:$0x9]  }
0x4f: {  	s14 =	rddreg [dreg:$0xa];
	s11 =	sshrl.u32 s11, $0x3  }
0x50: {  	[spmem:s11], [sflag:s9] =	dma.local [hbm:s14], $0x2000  }
0x51: {  	_ =	swait.ge [sflag:s5], $0x2000  }
0x52: {  	[sflag:s5] =	ssyncset.done $0x0  }
0x53: {  	[sflag:s5] =	ssyncadd.s32 $0xFFFFE000  }
0x54: {  	s15 =	rddreg [dreg:$0x4]  }
0x55: {  	[tilespmem:s18], [sflag:$0x7] =	stream.linear.gather [hbm4b:s15+s6], $0x2000, $0x38;
	[tilespmem:$0x1B300] =	vst v63  }
0x56: {  	_ =	swait.ge [sflag:s5], $0x2000  }
0x57: {  	[sflag:s5] =	ssyncset.done $0x0  }
0x58: {  	[sflag:s5] =	ssyncadd.s32 $0xFFFFE000  }
0x59: {  	[bflag:$0x0] =	sbarrier.arrive $0xFFFF  }
0x5a: {  	s16 =	rddreg [dreg:$0xb]  }
0x5b: {  	[tilespmem:s6], [sflag:$0x1] =	stream.linear.gather [hbm4b:s16+s6], $0x4000, $0x38;
	[tilespmem:$0x1B300] =	vst v63  }
0x5c: {  	s21 =	rddreg [dreg:$0xc]  }
0x5d: {  	[tilespmem:s26], [sflag:$0x3] =	stream.linear.gather [hbm4b:s21+s6], $0x80, $0x38;
	[tilespmem:$0x1B300] =	vst v63  }
0x5e: {  	s15 =	simm.s32 $0x8100;
	s22 =	rddreg [dreg:$0xd]  }
0x5f: {  	[tilespmem:s15], [sflag:$0x5] =	stream.linear.gather [hbm4b:s22+s6], $0x80, $0x38;
	[tilespmem:$0x1B300] =	vst v63  }
0x60: {  	s23 =	rddreg [dreg:$0xe]  }
0x61: {  	[tilespmem:s3], [sflag:$0x2] =	stream.linear.gather [hbm4b:s23+s6], $0x4000, $0x38;
	[tilespmem:$0x1B300] =	vst v63  }
0x62: {  	s24 =	rddreg [dreg:$0x10]  }
0x63: {  	[tilespmem:s28], [sflag:$0x4] =	stream.linear.gather [hbm4b:s24+s6], $0x80, $0x38;
	[tilespmem:$0x1B300] =	vst v63  }
0x64: {  	s25 =	rddreg [dreg:$0x11];
	s15 =	simm.s32 $0x0  }
0x65: {  	[tilespmem:s19], [sflag:$0x6] =	stream.linear.gather [hbm4b:s25+s6], $0x80, $0x38;
	[tilespmem:$0x1B300] =	vst v63  }
0x66: {  	s23 =	rddreg [dreg:$0x17];
	s24 =	smov.u32 s13;
	s25 =	smov.u32 s12  }
.LBB2_2:
0x67: {  	_ =	swait.ge [sflag:s20], $0x4000  }
0x68: {  	[sflag:s20] =	ssyncset.done $0x0  }
0x69: {  	[sflag:s20] =	ssyncadd.s32 $0xFFFFC000  }
0x6a: {  	_ =	swait.ge [sflag:s29], $0x80  }
0x6b: {  	[sflag:s29] =	ssyncset.done $0x0  }
0x6c: {  	[sflag:s29] =	ssyncadd.s32 $0xFFFFFF80  }
0x6d: {  	_ =	swait.ge [sflag:s30], $0x80  }
0x6e: {  	[sflag:s30] =	ssyncset.done $0x0  }
0x6f: {  	[sflag:s30] =	ssyncadd.s32 $0xFFFFFF80  }
0x70: {  	v0 =	vld [tilespmem:$0x8000];
	_ =	sdelay $0x2  }
0x71: {  	v1 =	vld [tilespmem:$0x8100];
	_ =	sdelay $0x4  }
0x72: {  	[tilespmem:v0+s18+$0x0] =	vst.idx.add.f32.msk $0xffff, v1  }
0x73: {  	v0 =	vld [tilespmem:$0x8010];
	_ =	sdelay $0x2  }
0x74: {  	v1 =	vld [tilespmem:$0x8110];
	_ =	sdelay $0x4  }
0x75: {  	[tilespmem:v0+s18+$0x0] =	vst.idx.add.f32.msk $0xffff, v1  }
0x76: {  	v0 =	vld [tilespmem:$0x8020];
	_ =	sdelay $0x2  }
0x77: {  	v1 =	vld [tilespmem:$0x8120];
	_ =	sdelay $0x4  }
0x78: {  	[tilespmem:v0+s18+$0x0] =	vst.idx.add.f32.msk $0xffff, v1  }
0x79: {  	v0 =	vld [tilespmem:$0x8030];
	_ =	sdelay $0x2  }
0x7a: {  	v1 =	vld [tilespmem:$0x8130];
	_ =	sdelay $0x4  }
0x7b: {  	[tilespmem:v0+s18+$0x0] =	vst.idx.add.f32.msk $0xffff, v1  }
0x7c: {  	v0 =	vld [tilespmem:$0x8040];
	_ =	sdelay $0x2  }
0x7d: {  	v1 =	vld [tilespmem:$0x8140];
	_ =	sdelay $0x4  }
0x7e: {  	[tilespmem:v0+s18+$0x0] =	vst.idx.add.f32.msk $0xffff, v1  }
0x7f: {  	v0 =	vld [tilespmem:$0x8050];
	_ =	sdelay $0x2  }
0x80: {  	v1 =	vld [tilespmem:$0x8150];
	_ =	sdelay $0x4  }
0x81: {  	[tilespmem:v0+s18+$0x0] =	vst.idx.add.f32.msk $0xffff, v1  }
0x82: {  	v0 =	vld [tilespmem:$0x8060];
	_ =	sdelay $0x2  }
0x83: {  	v1 =	vld [tilespmem:$0x8160];
	_ =	sdelay $0x4  }
0x84: {  	[tilespmem:v0+s18+$0x0] =	vst.idx.add.f32.msk $0xffff, v1  }
0x85: {  	v0 =	vld [tilespmem:$0x8070];
	_ =	sdelay $0x2  }
0x86: {  	v1 =	vld [tilespmem:$0x8170];
	_ =	sdelay $0x4  }
0x87: {  	[tilespmem:v0+s18+$0x0] =	vst.idx.add.f32.msk $0xffff, v1  }
0x88: {  	[spmem:s4] =	stream.indirect.scatter.add.f32 [tilespmem:s6], [sflag:$0x7], $0x80, s26, s31, $0xb8;
	[tilespmem:$0x1B300] =	vst v63  }
0x89: {  	p3 =	seq.s32 s15, $0x3C000;
	_ =	swait.ge [sflag:s5], $0x4000  }
0x8a: {  	s16 =	sadd.s32 @!p3 s15, s17;
	[sflag:s5] =	ssyncset.done $0x0  }
0x8b: {  	s21 =	simm.s32 @!p3 $0x0;
	s16 =	sadd.s32 @!p3 $0x1000, s16;
	[sflag:s5] =	ssyncadd.s32 $0xFFFFC000  }
0x8c: {  	[tilespmem:s21], [sflag:$0x1] =	stream.linear.gather @!p3 [hbm4b:s16+s21], $0x4000, $0x38;
	[tilespmem:$0x1B300] =	vst v63  }
0x8d: {  	s16 =	sshrl.u32 @!p3 s25, $0x3  }
0x8e: {  	s14 =	simm.s32 @!p3 $0x8000;
	s22 =	sadd.s32 @!p3 s0, s16  }
0x8f: {  	[tilespmem:s14], [sflag:$0x3] =	stream.linear.gather @!p3 [hbm4b:s22+s21], $0x80, $0x38;
	[tilespmem:$0x1B300] =	vst v63  }
0x90: {  	s14 =	sadd.s32 @!p3 s1, s16;
	s16 =	simm.s32 @!p3 $0x8100  }
0x91: {  	[tilespmem:s16], [sflag:$0x5] =	stream.linear.gather @!p3 [hbm4b:s14+s21], $0x80, $0x38;
	[tilespmem:$0x1B300] =	vst v63  }
0x92: {  	_ =	swait.ge [sflag:s2], $0x4000  }
0x93: {  	[sflag:s2] =	ssyncset.done $0x0  }
0x94: {  	[sflag:s2] =	ssyncadd.s32 $0xFFFFC000  }
0x95: {  	_ =	swait.ge [sflag:s7], $0x80  }
0x96: {  	[sflag:s7] =	ssyncset.done $0x0  }
0x97: {  	[sflag:s7] =	ssyncadd.s32 $0xFFFFFF80  }
0x98: {  	_ =	swait.ge [sflag:s8], $0x80  }
0x99: {  	[sflag:s8] =	ssyncset.done $0x0  }
0x9a: {  	[sflag:s8] =	ssyncadd.s32 $0xFFFFFF80  }
0x9b: {  	v62 =	vld [tilespmem:$0x8080];
	_ =	sdelay $0x2  }
0x9c: {  	v63 =	vld [tilespmem:$0x8180];
	_ =	sdelay $0x4  }
0x9d: {  	[tilespmem:v62+s18+$0x0] =	vst.idx.add.f32.msk $0xffff, v63  }
0x9e: {  	v0 =	vld [tilespmem:$0x8090];
	_ =	sdelay $0x2  }
0x9f: {  	v1 =	vld [tilespmem:$0x8190];
	_ =	sdelay $0x4  }
0xa0: {  	[tilespmem:v0+s18+$0x0] =	vst.idx.add.f32.msk $0xffff, v1  }
0xa1: {  	v0 =	vld [tilespmem:$0x80A0];
	_ =	sdelay $0x2  }
0xa2: {  	v1 =	vld [tilespmem:$0x81A0];
	_ =	sdelay $0x4  }
0xa3: {  	[tilespmem:v0+s18+$0x0] =	vst.idx.add.f32.msk $0xffff, v1  }
0xa4: {  	v0 =	vld [tilespmem:$0x80B0];
	_ =	sdelay $0x2  }
0xa5: {  	v1 =	vld [tilespmem:$0x81B0];
	_ =	sdelay $0x4  }
0xa6: {  	[tilespmem:v0+s18+$0x0] =	vst.idx.add.f32.msk $0xffff, v1  }
0xa7: {  	v0 =	vld [tilespmem:$0x80C0];
	_ =	sdelay $0x2  }
0xa8: {  	v1 =	vld [tilespmem:$0x81C0];
	_ =	sdelay $0x4  }
0xa9: {  	[tilespmem:v0+s18+$0x0] =	vst.idx.add.f32.msk $0xffff, v1  }
0xaa: {  	v0 =	vld [tilespmem:$0x80D0];
	_ =	sdelay $0x2  }
0xab: {  	v1 =	vld [tilespmem:$0x81D0];
	_ =	sdelay $0x4  }
0xac: {  	[tilespmem:v0+s18+$0x0] =	vst.idx.add.f32.msk $0xffff, v1  }
0xad: {  	v0 =	vld [tilespmem:$0x80E0];
	_ =	sdelay $0x2  }
0xae: {  	v1 =	vld [tilespmem:$0x81E0];
	_ =	sdelay $0x4  }
0xaf: {  	[tilespmem:v0+s18+$0x0] =	vst.idx.add.f32.msk $0xffff, v1  }
0xb0: {  	v0 =	vld [tilespmem:$0x80F0];
	_ =	sdelay $0x2  }
0xb1: {  	v1 =	vld [tilespmem:$0x81F0];
	_ =	sdelay $0x4  }
.Ltmp2:
0xb2: {  	[tilespmem:v0+s18+$0x0] =	vst.idx.add.f32.msk $0xffff, v1;
	(pc) =	sbr.rel @p3 .LBB2_4-.Ltmp2, $4  }
0xb3: {  	[spmem:s4] =	stream.indirect.scatter.add.f32 [tilespmem:s3], [sflag:$0x7], $0x80, s28, s31, $0xb8;
	[tilespmem:$0x1B300] =	vst v63  }
0xb4: {  	_ =	swait.ge [sflag:s5], $0x4000  }
0xb5: {  	[sflag:s5] =	ssyncset.done $0x0  }
0xb6: {  	[sflag:s5] =	ssyncadd.s32 $0xFFFFC000  }
0xb7: {  	s14 =	sadd.s32 s15, s17  }
0xb8: {  	s14 =	sadd.s32 $0x1800, s14  }
0xb9: {  	[tilespmem:s3], [sflag:$0x2] =	stream.linear.gather [hbm4b:s14+s6], $0x4000, $0x38;
	[tilespmem:$0x1B300] =	vst v63  }
.Ltmp3:
0xba: {  	_ = 	snop;
	(pc) =	sbr.rel .LBB2_2-.Ltmp3, $4  }
0xbb: {  	[tilespmem:s28], [sflag:$0x4] =	stream.linear.gather [hbm4b:s24+s6], $0x80, $0x38;
	[tilespmem:$0x1B300] =	vst v63  }
0xbc: {  	s15 =	sadd.s32 $0x1000, s15  }
0xbd: {  	[tilespmem:s19], [sflag:$0x6] =	stream.linear.gather [hbm4b:s23+s6], $0x80, $0x38;
	[tilespmem:$0x1B300] =	vst v63  }
0xbe: {  	s25 =	sadd.s32 $0x100, s25;
	s24 =	sadd.s32 $0x20, s24;
	s23 =	sadd.s32 $0x20, s23  }
.LBB2_4:
.Ltmp4:
0xbf: {  	(pc) =	sbr.rel @p1 .LBB2_6-.Ltmp4, $1  }
0xc0: {  	_ =	sdelay $0x3  }
0xc1: {  	s14 =	simm.s32 @p0 $0x0;
	s15 =	rddreg [dreg:$0x13]  }
0xc2: {  	[tilespmem:s14], [sflag:$0x7] =	stream.linear.gather @p0 [hbm4b:s15+s14], $0x4000, $0x38;
	[tilespmem:$0x1B300] =	vst v63  }
0xc3: {  	s15 =	simm.s32 @p0 $0x7  }
0xc4: {  	_ =	swait.ge @p0 [sflag:s15], $0x4000  }
0xc5: {  	[sflag:s15] =	ssyncset.done @p0 $0x0  }
0xc6: {  	s16 =	simm.s32 @p0 $0x8000;
	s21 =	rddreg [dreg:$0x1a];
	[sflag:s15] =	ssyncadd.s32 @p0 $0xFFFFC000  }
0xc7: {  	[tilespmem:s16], [sflag:$0x7] =	stream.linear.gather @p0 [hbm4b:s21+s14], $0x80, $0x38;
	[tilespmem:$0x1B300] =	vst v63  }
0xc8: {  	_ =	swait.ge @p0 [sflag:s15], $0x80  }
0xc9: {  	[sflag:s15] =	ssyncset.done @p0 $0x0  }
0xca: {  	s21 =	simm.s32 @p0 $0x8100;
	s22 =	rddreg [dreg:$0x1b];
	[sflag:s15] =	ssyncadd.s32 @p0 $0xFFFFFF80  }
0xcb: {  	[tilespmem:s21], [sflag:$0x7] =	stream.linear.gather @p0 [hbm4b:s22+s14], $0x80, $0x38;
	[tilespmem:$0x1B300] =	vst v63  }
0xcc: {  	_ =	swait.ge @p0 [sflag:s15], $0x80  }
0xcd: {  	[sflag:s15] =	ssyncset.done @p0 $0x0  }
0xce: {  	[sflag:s15] =	ssyncadd.s32 @p0 $0xFFFFFF80  }
0xcf: {  	v0 =	vld @p0 [tilespmem:$0x8000];
	_ =	sdelay $0x2  }
0xd0: {  	v1 =	vld @p0 [tilespmem:$0x8100];
	_ =	sdelay $0x3  }
0xd1: {  	s21 =	simm.s32 @p0 $0x9300  }
0xd2: {  	[tilespmem:v0+s21+$0x0] =	vst.idx.add.f32.msk @p0 $0xffff, v1  }
0xd3: {  	v0 =	vld @p0 [tilespmem:$0x8010];
	_ =	sdelay $0x2  }
0xd4: {  	v1 =	vld @p0 [tilespmem:$0x8110];
	_ =	sdelay $0x4  }
0xd5: {  	[tilespmem:v0+s21+$0x0] =	vst.idx.add.f32.msk @p0 $0xffff, v1  }
0xd6: {  	v0 =	vld @p0 [tilespmem:$0x8020];
	_ =	sdelay $0x2  }
0xd7: {  	v1 =	vld @p0 [tilespmem:$0x8120];
	_ =	sdelay $0x4  }
0xd8: {  	[tilespmem:v0+s21+$0x0] =	vst.idx.add.f32.msk @p0 $0xffff, v1  }
0xd9: {  	v0 =	vld @p0 [tilespmem:$0x8030];
	_ =	sdelay $0x2  }
0xda: {  	v1 =	vld @p0 [tilespmem:$0x8130];
	_ =	sdelay $0x4  }
0xdb: {  	[tilespmem:v0+s21+$0x0] =	vst.idx.add.f32.msk @p0 $0xffff, v1  }
0xdc: {  	v0 =	vld @p0 [tilespmem:$0x8040];
	_ =	sdelay $0x2  }
0xdd: {  	v1 =	vld @p0 [tilespmem:$0x8140];
	_ =	sdelay $0x4  }
0xde: {  	[tilespmem:v0+s21+$0x0] =	vst.idx.add.f32.msk @p0 $0xffff, v1  }
0xdf: {  	v0 =	vld @p0 [tilespmem:$0x8050];
	_ =	sdelay $0x2  }
0xe0: {  	v1 =	vld @p0 [tilespmem:$0x8150];
	_ =	sdelay $0x4  }
0xe1: {  	[tilespmem:v0+s21+$0x0] =	vst.idx.add.f32.msk @p0 $0xffff, v1  }
0xe2: {  	v0 =	vld @p0 [tilespmem:$0x8060];
	_ =	sdelay $0x2  }
0xe3: {  	v1 =	vld @p0 [tilespmem:$0x8160];
	_ =	sdelay $0x4  }
0xe4: {  	[tilespmem:v0+s21+$0x0] =	vst.idx.add.f32.msk @p0 $0xffff, v1  }
0xe5: {  	v0 =	vld @p0 [tilespmem:$0x8070];
	_ =	sdelay $0x2  }
0xe6: {  	v1 =	vld @p0 [tilespmem:$0x8170];
	_ =	sdelay $0x4  }
0xe7: {  	[tilespmem:v0+s21+$0x0] =	vst.idx.add.f32.msk @p0 $0xffff, v1;
	s21 =	simm.s32 @p0 $0x80  }
0xe8: {  	[spmem:s4] =	stream.indirect.scatter.add.f32 @p0 [tilespmem:s14], [sflag:$0x7], $0x80, s16, s21, $0xb8;
	[tilespmem:$0x1B300] =	vst v63  }
0xe9: {  	_ =	swait.ge @p0 [sflag:s15], $0x4000  }
0xea: {  	[sflag:s15] =	ssyncset.done @p0 $0x0  }
0xeb: {  	s14 =	simm.s32 @!p2 $0x0;
	[sflag:s15] =	ssyncadd.s32 @p0 $0xFFFFC000;
	s15 =	rddreg [dreg:$0x14]  }
0xec: {  	[tilespmem:s14], [sflag:$0x7] =	stream.linear.gather @!p2 [hbm4b:s15+s14], $0x4000, $0x38;
	[tilespmem:$0x1B300] =	vst v63  }
0xed: {  	s15 =	simm.s32 @!p2 $0x7  }
0xee: {  	_ =	swait.ge @!p2 [sflag:s15], $0x4000  }
0xef: {  	[sflag:s15] =	ssyncset.done @!p2 $0x0  }
0xf0: {  	s16 =	simm.s32 @!p2 $0x8000;
	s21 =	rddreg [dreg:$0x1c];
	[sflag:s15] =	ssyncadd.s32 @!p2 $0xFFFFC000  }
0xf1: {  	[tilespmem:s16], [sflag:$0x7] =	stream.linear.gather @!p2 [hbm4b:s21+s14], $0x80, $0x38;
	[tilespmem:$0x1B300] =	vst v63  }
0xf2: {  	_ =	swait.ge @!p2 [sflag:s15], $0x80  }
0xf3: {  	[sflag:s15] =	ssyncset.done @!p2 $0x0  }
0xf4: {  	s21 =	simm.s32 @!p2 $0x8100;
	s22 =	rddreg [dreg:$0x1d];
	[sflag:s15] =	ssyncadd.s32 @!p2 $0xFFFFFF80  }
0xf5: {  	[tilespmem:s21], [sflag:$0x7] =	stream.linear.gather @!p2 [hbm4b:s22+s14], $0x80, $0x38;
	[tilespmem:$0x1B300] =	vst v63  }
0xf6: {  	_ =	swait.ge @!p2 [sflag:s15], $0x80  }
0xf7: {  	[sflag:s15] =	ssyncset.done @!p2 $0x0  }
0xf8: {  	[sflag:s15] =	ssyncadd.s32 @!p2 $0xFFFFFF80  }
0xf9: {  	v0 =	vld @!p2 [tilespmem:$0x8000];
	_ =	sdelay $0x2  }
0xfa: {  	v1 =	vld @!p2 [tilespmem:$0x8100];
	_ =	sdelay $0x3  }
0xfb: {  	s21 =	simm.s32 @!p2 $0x9300  }
0xfc: {  	[tilespmem:v0+s21+$0x0] =	vst.idx.add.f32.msk @!p2 $0xffff, v1  }
0xfd: {  	v0 =	vld @!p2 [tilespmem:$0x8010];
	_ =	sdelay $0x2  }
0xfe: {  	v1 =	vld @!p2 [tilespmem:$0x8110];
	_ =	sdelay $0x4  }
0xff: {  	[tilespmem:v0+s21+$0x0] =	vst.idx.add.f32.msk @!p2 $0xffff, v1  }
0x100: {  	v0 =	vld @!p2 [tilespmem:$0x8020];
	_ =	sdelay $0x2  }
0x101: {  	v1 =	vld @!p2 [tilespmem:$0x8120];
	_ =	sdelay $0x4  }
0x102: {  	[tilespmem:v0+s21+$0x0] =	vst.idx.add.f32.msk @!p2 $0xffff, v1  }
0x103: {  	v0 =	vld @!p2 [tilespmem:$0x8030];
	_ =	sdelay $0x2  }
0x104: {  	v1 =	vld @!p2 [tilespmem:$0x8130];
	_ =	sdelay $0x4  }
0x105: {  	[tilespmem:v0+s21+$0x0] =	vst.idx.add.f32.msk @!p2 $0xffff, v1  }
0x106: {  	v0 =	vld @!p2 [tilespmem:$0x8040];
	_ =	sdelay $0x2  }
0x107: {  	v1 =	vld @!p2 [tilespmem:$0x8140];
	_ =	sdelay $0x4  }
0x108: {  	[tilespmem:v0+s21+$0x0] =	vst.idx.add.f32.msk @!p2 $0xffff, v1  }
0x109: {  	v0 =	vld @!p2 [tilespmem:$0x8050];
	_ =	sdelay $0x2  }
0x10a: {  	v1 =	vld @!p2 [tilespmem:$0x8150];
	_ =	sdelay $0x4  }
0x10b: {  	[tilespmem:v0+s21+$0x0] =	vst.idx.add.f32.msk @!p2 $0xffff, v1  }
0x10c: {  	v0 =	vld @!p2 [tilespmem:$0x8060];
	_ =	sdelay $0x2  }
0x10d: {  	v1 =	vld @!p2 [tilespmem:$0x8160];
	_ =	sdelay $0x4  }
0x10e: {  	[tilespmem:v0+s21+$0x0] =	vst.idx.add.f32.msk @!p2 $0xffff, v1  }
0x10f: {  	v0 =	vld @!p2 [tilespmem:$0x8070];
	_ =	sdelay $0x2  }
0x110: {  	v1 =	vld @!p2 [tilespmem:$0x8170];
	_ =	sdelay $0x4  }
.Ltmp5:
0x111: {  	[tilespmem:v0+s21+$0x0] =	vst.idx.add.f32.msk @!p2 $0xffff, v1;
	s21 =	simm.s32 @!p2 $0x80;
	(pc) =	sbr.rel .LBB2_7-.Ltmp5, $4  }
0x112: {  	[spmem:s4] =	stream.indirect.scatter.add.f32 @!p2 [tilespmem:s14], [sflag:$0x7], $0x80, s16, s21, $0xb8;
	[tilespmem:$0x1B300] =	vst v63  }
0x113: {  	_ =	swait.ge @!p2 [sflag:s15], $0x4000  }
0x114: {  	[sflag:s15] =	ssyncset.done @!p2 $0x0  }
0x115: {  	[sflag:s15] =	ssyncadd.s32 @!p2 $0xFFFFC000  }
.LBB2_8:
0x116: {  	_ =	sfence.sel $0x180000  }
0x117: {  	[bflag:$0x0] =	sbarrier.arrive $0xFFFF  }
0x118: {  	_ =	strace $0x90000047  }
0x119: {  	s0 =	stileid.u32;
	[bflag:$0x2] =	sbarrier.arrive $0xFFFF  }
0x11a: {  	p0 =	sne.s32 s0, $0x0;
	s0 =	rddreg [dreg:$0x8]  }
0x11b: {  	s0 =	sadd.s32 @!p0 $0x100000, s0  }
0x11c: {  	[sflag:s0] =	ssyncadd.tile.s32 @!p0 $0x1;
	_ =	shalt  }
.Lfunc_end2:
_tile_overlayer_lowered:
.L_overlay_start_2:
0x11d: {  	(tag) =	ssettag $0x2  }
0x11e: {  	s0 =	rddreg [dreg:$0x0];
	s2 =	stileid.u32  }
0x11f: {  	s1 =	rddreg [dreg:$0x1];
	p0 =	sne.s32 s2, $0x0  }
0x120: {  	s3 =	rddreg [dreg:$0x2];
	[bflag:$0x3] =	sbarrier.arrive $0xFFFF;
	s2 =	simm.s32 @!p0 $0x1C07  }
0x121: {  	[timem:s3], [sflag:s2] =	dma.local @!p0 [hbm:s0], s1  }
0x122: {  	s0 =	simm.s32 @!p0 $0x7  }
0x123: {  	_ =	swait.ge @!p0 [sflag:s0], s1  }
0x124: {  	s1 =	ssub.s32 @!p0 $0x0, s1;
	[sflag:s0] =	ssyncset.done @!p0 $0x0  }
0x125: {  	[sflag:s0] =	ssyncadd.s32 @!p0 s1  }
0x126: {  	[bflag:$0x3] =	sbarrier.arrive $0xFFFF  }
0x127: {  	_ =	shalt  }

</sc_bundles>
